<compile_context>
chip_gen: v7x
topology: tpu7x:2x2x1
jax: 0.10.2.dev20260603
libtpu: 0.0.44.dev20260713+nightly
codegen_flags: <defaults>
</compile_context>

<pallas_src>
import jax
import jax.numpy as jnp
from jax import lax
from jax.experimental import pallas as pl
from jax.experimental.pallas import tpu as pltpu
from jax.experimental.pallas import tpu_sc as plsc

B = 16384
F = 26
E = 16
V = 1000000
NC, NS = 2, 16
NW = NC * NS
SPW = B // NW
TWCH = 62504
VP = NS * TWCH

TW_BLK = 131072


def _tw_body(t_ref, w_ref, o_ref):
    o_ref[...] = jnp.sum(t_ref[...] * w_ref[...], axis=0)


def _fold_weight(table_t, weight):
    grid = (VP + TW_BLK - 1) // TW_BLK
    return pl.pallas_call(
        _tw_body,
        grid=(grid,),
        in_specs=[
            pl.BlockSpec((E, TW_BLK), lambda i: (0, i)),
            pl.BlockSpec((E, 1), lambda i: (0, 0)),
        ],
        out_specs=pl.BlockSpec((TW_BLK,), lambda i: (i,)),
        out_shape=jax.ShapeDtypeStruct((VP,), jnp.float32),
    )(table_t, weight)


def _sc_body(idx_hbm, val_hbm, tw_hbm, b_hbm, out_hbm,
             idx_v, val_v, g_v, out_v, b_v, tw_s, sem):
    sid = lax.axis_index("s")
    wid = sid * NC + lax.axis_index("c")

    base = sid * TWCH
    tw_cp = pltpu.make_async_copy(
        tw_hbm.at[pl.ds(base, TWCH)],
        tw_s.at[pl.ds(base, TWCH)],
        sem,
    )
    tw_cp.start()

    pltpu.sync_copy(idx_hbm.at[:, pl.ds(wid * SPW, SPW)], idx_v)
    pltpu.sync_copy(val_hbm.at[:, pl.ds(wid * SPW, SPW)], val_v)
    pltpu.sync_copy(b_hbm, b_v)

    bvec = b_v[...]
    inv_f = jnp.float32(1.0 / F)

    tw_cp.wait()
    plsc.subcore_barrier()

    copies = []
    for f in range(F):
        cp = pltpu.make_async_copy(
            tw_s.at[idx_v.at[f]],
            g_v.at[f],
            sem,
        )
        cp.start()
        copies.append(cp)
    for cp in copies:
        cp.wait()

    def group_body(g, carry):
        col = pl.ds(g * E, E)
        acc = val_v[0, col] * g_v[0, col]
        for f in range(1, F):
            acc = acc + val_v[f, col] * g_v[f, col]
        x = acc * inv_f + bvec
        out_v[col] = 1.0 / (1.0 + jnp.exp(-x))
        return carry

    lax.fori_loop(0, SPW // E, group_body, 0)

    pltpu.sync_copy(out_v, out_hbm.at[pl.ds(wid * SPW, SPW)])


@jax.jit
def _lr(feat_index, feat_value, emb_table, weight, bias):
    tw = _fold_weight(emb_table.T, weight)
    b16 = jnp.broadcast_to(bias, (E,))
    run = pl.kernel(
        _sc_body,
        out_type=jax.ShapeDtypeStruct((B,), jnp.float32),
        mesh=plsc.VectorSubcoreMesh(core_axis_name="c", subcore_axis_name="s"),
        scratch_types=[
            pltpu.VMEM((F, SPW), jnp.int32),
            pltpu.VMEM((F, SPW), jnp.float32),
            pltpu.VMEM((F, SPW), jnp.float32),
            pltpu.VMEM((SPW,), jnp.float32),
            pltpu.VMEM((E,), jnp.float32),
            pltpu.VMEM_SHARED((VP,), jnp.float32),
            pltpu.SemaphoreType.DMA,
        ],
        compiler_params=pltpu.CompilerParams(use_tc_tiling_on_sc=False),
    )
    out = run(feat_index.T, feat_value.T, tw, b16)
    return out.reshape(B, 1)


def kernel(feat_index, feat_value, emb_table, weight, bias):
    return _lr(feat_index, feat_value, emb_table, weight, bias)

# --- scband reference (transcript-rebuilt; emitter-appended) ---
"""Pipeline reference for scband-lr-24567212933696 (READ-ONLY COPY).

The authoritative reference and input builder live on the scoring server;
editing this copy changes nothing except your own understanding.
"""

import jax, jax.numpy as jnp
import numpy as np

FEATURE_SIZE = 1000000
FIELD_SIZE = 26
OUTPUT_SIZE = 1
EMBEDDING_SIZE = 16
BATCH = 16384


def setup_inputs(seed: int = 0) -> dict:
    key = jax.random.key(seed)
    k1, k2, k3, k4 = jax.random.split(key, 4)
    feat_index = jax.random.randint(k1, (BATCH, FIELD_SIZE), 0, FEATURE_SIZE, dtype=jnp.int32)
    feat_value = jax.random.uniform(k2, (BATCH, FIELD_SIZE), dtype=jnp.float32)
    emb_table = jax.random.normal(k3, (FEATURE_SIZE, EMBEDDING_SIZE), dtype=jnp.float32) * 0.1
    weight = jax.random.normal(k4, (EMBEDDING_SIZE, OUTPUT_SIZE), dtype=jnp.float32) * 0.1
    bias = jnp.zeros((OUTPUT_SIZE,), dtype=jnp.float32)
    return {"feat_index": feat_index, "feat_value": feat_value, "emb_table": emb_table, "weight": weight, "bias": bias}


def reference(feat_index, feat_value, emb_table, weight, bias):
    # embedding lookup: [B, F, E]
    embeddings = jnp.take(emb_table, feat_index, axis=0)
    # multiply by feature values
    fv = jnp.reshape(feat_value, (-1, FIELD_SIZE, 1))
    embeddings = embeddings * fv
    # mean over fields -> [B, E]
    embeddings = jnp.mean(embeddings, axis=1)
    # linear + sigmoid -> [B, 1]
    out = jnp.matmul(embeddings, weight) + bias
    out = jax.nn.sigmoid(out)
    return out

if __name__ == "__main__":
    import jax
    _d = setup_inputs()
    print(jax.jit(kernel)(*tuple(_d.values())))

</pallas_src>

<mosaic_0001>
#map = affine_map<(d0, d1) -> (0, 0)>
#map1 = affine_map<(d0, d1) -> (0)>
module attributes {stable_mosaic.version = 14 : i64} {
  func.func @_sc_body(%arg0: i32, %arg1: i32, %arg2: memref<26x16384xi32, #tpu.memory_space<hbm>>, %arg3: memref<26x16384xf32, #tpu.memory_space<hbm>>, %arg4: memref<1000064xf32, #tpu.memory_space<hbm>>, %arg5: memref<16xf32, #tpu.memory_space<hbm>>, %arg6: memref<16384xf32, #tpu.memory_space<hbm>>, %arg7: memref<26x512xi32, #tpu.memory_space<vmem>>, %arg8: memref<26x512xf32, #tpu.memory_space<vmem>>, %arg9: memref<26x512xf32, #tpu.memory_space<vmem>>, %arg10: memref<512xf32, #tpu.memory_space<vmem>>, %arg11: memref<16xf32, #tpu.memory_space<vmem>>, %arg12: memref<1000064xf32, #tpu.memory_space<vmem_shared>>, %arg13: memref<!tpu.dma_semaphore, #tpu.memory_space<semaphore_mem>>) attributes {dimension_semantics = [#tpu.dimension_semantics<core_parallel>, #tpu.dimension_semantics<subcore_parallel>], iteration_bounds = array<i64: 2, 16>, scalar_prefetch = 0 : i64, scratch_operands = 7 : i64, tpu.core_type = #tpu.core_type<sc_vector_subcore>, window_params = [{transform_indices = #map}, {transform_indices = #map}, {transform_indices = #map1}, {transform_indices = #map1}, {transform_indices = #map1}]} {
    %mul3A = arith.constant 2 : i32
    %mul3A_0 = arith.muli %arg1, %mul3A : i32
    %add3A = arith.addi %mul3A_0, %arg0 : i32
    %mul3A_1 = arith.constant 62504 : i32
    %mul3A_2 = arith.muli %arg1, %mul3A_1 : i32
    %dma_start3A = tpu.memref_slice %arg12[%mul3A_2] : memref<1000064xf32, #tpu.memory_space<vmem_shared>> -> memref<62504xf32, #tpu.memory_space<vmem_shared>>
    %dma_start3A_3 = tpu.memref_slice %arg4[%mul3A_2] : memref<1000064xf32, #tpu.memory_space<hbm>> -> memref<62504xf32, #tpu.memory_space<hbm>>
    tpu.enqueue_dma source(%dma_start3A_3 : memref<62504xf32, #tpu.memory_space<hbm>>) target(%dma_start3A : memref<62504xf32, #tpu.memory_space<vmem_shared>>) target_semaphore(%arg13 : memref<!tpu.dma_semaphore, #tpu.memory_space<semaphore_mem>>)
    %mul3A_4 = arith.constant 512 : i32
    %mul3A_5 = arith.muli %add3A, %mul3A_4 : i32
    "tpu.region"() ({
      %run_scoped3A = tpu.sem_alloc : memref<!tpu.dma_semaphore, #tpu.memory_space<semaphore_mem>>
      %dma_start3A_539 = arith.constant 0 : i32
      %dma_start3A_540 = tpu.memref_slice %arg2[%dma_start3A_539, %mul3A_5] : memref<26x16384xi32, #tpu.memory_space<hbm>> -> memref<26x512xi32, #tpu.memory_space<hbm>>
      %dma_start3A_541 = arith.constant 0 : i32
      %dma_start3A_542 = tpu.memref_slice %arg2[%dma_start3A_541, %mul3A_5] : memref<26x16384xi32, #tpu.memory_space<hbm>> -> memref<26x512xi32, #tpu.memory_space<hbm>>
      tpu.enqueue_dma source(%dma_start3A_542 : memref<26x512xi32, #tpu.memory_space<hbm>>) target(%arg7 : memref<26x512xi32, #tpu.memory_space<vmem>>) target_semaphore(%run_scoped3A : memref<!tpu.dma_semaphore, #tpu.memory_space<semaphore_mem>>)
      %dma_wait3A_543 = arith.constant 0 : i32
      %dma_wait3A_544 = tpu.memref_slice %arg2[%dma_wait3A_543, %mul3A_5] : memref<26x16384xi32, #tpu.memory_space<hbm>> -> memref<26x512xi32, #tpu.memory_space<hbm>>
      %dma_wait3A_545 = arith.constant 0 : i32
      %dma_wait3A_546 = tpu.memref_slice %arg2[%dma_wait3A_545, %mul3A_5] : memref<26x16384xi32, #tpu.memory_space<hbm>> -> memref<26x512xi32, #tpu.memory_space<hbm>>
      tpu.wait_dma2 semaphore(%run_scoped3A : memref<!tpu.dma_semaphore, #tpu.memory_space<semaphore_mem>>) src(%dma_wait3A_546 : memref<26x512xi32, #tpu.memory_space<hbm>>) dst(%arg7 : memref<26x512xi32, #tpu.memory_space<vmem>>)
      tpu.yield
    }) : () -> ()
    %mul3A_6 = arith.constant 512 : i32
    %mul3A_7 = arith.muli %add3A, %mul3A_6 : i32
    "tpu.region"() ({
      %run_scoped3A = tpu.sem_alloc : memref<!tpu.dma_semaphore, #tpu.memory_space<semaphore_mem>>
      %dma_start3A_539 = arith.constant 0 : i32
      %dma_start3A_540 = tpu.memref_slice %arg3[%dma_start3A_539, %mul3A_7] : memref<26x16384xf32, #tpu.memory_space<hbm>> -> memref<26x512xf32, #tpu.memory_space<hbm>>
      %dma_start3A_541 = arith.constant 0 : i32
      %dma_start3A_542 = tpu.memref_slice %arg3[%dma_start3A_541, %mul3A_7] : memref<26x16384xf32, #tpu.memory_space<hbm>> -> memref<26x512xf32, #tpu.memory_space<hbm>>
      tpu.enqueue_dma source(%dma_start3A_542 : memref<26x512xf32, #tpu.memory_space<hbm>>) target(%arg8 : memref<26x512xf32, #tpu.memory_space<vmem>>) target_semaphore(%run_scoped3A : memref<!tpu.dma_semaphore, #tpu.memory_space<semaphore_mem>>)
      %dma_wait3A_543 = arith.constant 0 : i32
      %dma_wait3A_544 = tpu.memref_slice %arg3[%dma_wait3A_543, %mul3A_7] : memref<26x16384xf32, #tpu.memory_space<hbm>> -> memref<26x512xf32, #tpu.memory_space<hbm>>
      %dma_wait3A_545 = arith.constant 0 : i32
      %dma_wait3A_546 = tpu.memref_slice %arg3[%dma_wait3A_545, %mul3A_7] : memref<26x16384xf32, #tpu.memory_space<hbm>> -> memref<26x512xf32, #tpu.memory_space<hbm>>
      tpu.wait_dma2 semaphore(%run_scoped3A : memref<!tpu.dma_semaphore, #tpu.memory_space<semaphore_mem>>) src(%dma_wait3A_546 : memref<26x512xf32, #tpu.memory_space<hbm>>) dst(%arg8 : memref<26x512xf32, #tpu.memory_space<vmem>>)
      tpu.yield
    }) : () -> ()
    "tpu.region"() ({
      %run_scoped3A = tpu.sem_alloc : memref<!tpu.dma_semaphore, #tpu.memory_space<semaphore_mem>>
      tpu.enqueue_dma source(%arg5 : memref<16xf32, #tpu.memory_space<hbm>>) target(%arg11 : memref<16xf32, #tpu.memory_space<vmem>>) target_semaphore(%run_scoped3A : memref<!tpu.dma_semaphore, #tpu.memory_space<semaphore_mem>>)
      tpu.wait_dma2 semaphore(%run_scoped3A : memref<!tpu.dma_semaphore, #tpu.memory_space<semaphore_mem>>) src(%arg5 : memref<16xf32, #tpu.memory_space<hbm>>) dst(%arg11 : memref<16xf32, #tpu.memory_space<vmem>>)
      tpu.yield
    }) : () -> ()
    %get3A = arith.constant 0 : index
    %get3A_8 = tpu.vector_load %arg11[%get3A] {strides = array<i32>} : memref<16xf32, #tpu.memory_space<vmem>>, vector<16xf32>,
    %get3A_9 = vector.shape_cast %get3A_8 : vector<16xf32> to vector<16xf32>
    %dma_wait3A = tpu.memref_slice %arg12[%mul3A_2] : memref<1000064xf32, #tpu.memory_space<vmem_shared>> -> memref<62504xf32, #tpu.memory_space<vmem_shared>>
    %dma_wait3A_10 = tpu.memref_slice %arg4[%mul3A_2] : memref<1000064xf32, #tpu.memory_space<hbm>> -> memref<62504xf32, #tpu.memory_space<hbm>>
    tpu.wait_dma2 semaphore(%arg13 : memref<!tpu.dma_semaphore, #tpu.memory_space<semaphore_mem>>) src(%dma_wait3A_10 : memref<62504xf32, #tpu.memory_space<hbm>>) dst(%dma_wait3A : memref<62504xf32, #tpu.memory_space<vmem_shared>>)
    %barrier3A = arith.constant 0 : index
    tpu.barrier barrier_id(%barrier3A)
    %dma_start3A_11 = arith.constant 0 : i32
    %dma_start3A_12 = arith.constant 0 : i32
    %dma_start3A_13 = arith.constant 0 : i32
    %dma_start3A_14 = tpu.memref_slice %arg9[%dma_start3A_12, %dma_start3A_13] : memref<26x512xf32, #tpu.memory_space<vmem>> -> memref<1x512xf32, #tpu.memory_space<vmem>>
    %dma_start3A_15 = tpu.memref_squeeze %dma_start3A_14 : memref<1x512xf32, #tpu.memory_space<vmem>> -> memref<512xf32, #tpu.memory_space<vmem>>
    %dma_start3A_16 = arith.constant 0 : i32
    %dma_start3A_17 = tpu.memref_slice %arg7[%dma_start3A_11, %dma_start3A_16] : memref<26x512xi32, #tpu.memory_space<vmem>> -> memref<1x512xi32, #tpu.memory_space<vmem>>
    %dma_start3A_18 = tpu.memref_squeeze %dma_start3A_17 : memref<1x512xi32, #tpu.memory_space<vmem>> -> memref<512xi32, #tpu.memory_space<vmem>>
    %dma_start3A_19 = arith.constant 0 : i32
    %dma_start3A_20 = tpu.memref_slice %arg12[%dma_start3A_19] : memref<1000064xf32, #tpu.memory_space<vmem_shared>> -> memref<1000064xf32, #tpu.memory_space<vmem_shared>>
    tpu.enqueue_indirect_dma source(%dma_start3A_20 : memref<1000064xf32, #tpu.memory_space<vmem_shared>>) target(%dma_start3A_15 : memref<512xf32, #tpu.memory_space<vmem>>) offsets(%dma_start3A_18 : memref<512xi32, #tpu.memory_space<vmem>>) semaphore(%arg13 : memref<!tpu.dma_semaphore, #tpu.memory_space<semaphore_mem>>)
    %dma_start3A_21 = arith.constant 1 : i32
    %dma_start3A_22 = arith.constant 1 : i32
    %dma_start3A_23 = arith.constant 0 : i32
    %dma_start3A_24 = tpu.memref_slice %arg9[%dma_start3A_22, %dma_start3A_23] : memref<26x512xf32, #tpu.memory_space<vmem>> -> memref<1x512xf32, #tpu.memory_space<vmem>>
    %dma_start3A_25 = tpu.memref_squeeze %dma_start3A_24 : memref<1x512xf32, #tpu.memory_space<vmem>> -> memref<512xf32, #tpu.memory_space<vmem>>
    %dma_start3A_26 = arith.constant 0 : i32
    %dma_start3A_27 = tpu.memref_slice %arg7[%dma_start3A_21, %dma_start3A_26] : memref<26x512xi32, #tpu.memory_space<vmem>> -> memref<1x512xi32, #tpu.memory_space<vmem>>
    %dma_start3A_28 = tpu.memref_squeeze %dma_start3A_27 : memref<1x512xi32, #tpu.memory_space<vmem>> -> memref<512xi32, #tpu.memory_space<vmem>>
    %dma_start3A_29 = arith.constant 0 : i32
    %dma_start3A_30 = tpu.memref_slice %arg12[%dma_start3A_29] : memref<1000064xf32, #tpu.memory_space<vmem_shared>> -> memref<1000064xf32, #tpu.memory_space<vmem_shared>>
    tpu.enqueue_indirect_dma source(%dma_start3A_30 : memref<1000064xf32, #tpu.memory_space<vmem_shared>>) target(%dma_start3A_25 : memref<512xf32, #tpu.memory_space<vmem>>) offsets(%dma_start3A_28 : memref<512xi32, #tpu.memory_space<vmem>>) semaphore(%arg13 : memref<!tpu.dma_semaphore, #tpu.memory_space<semaphore_mem>>)
    %dma_start3A_31 = arith.constant 2 : i32
    %dma_start3A_32 = arith.constant 2 : i32
    %dma_start3A_33 = arith.constant 0 : i32
    %dma_start3A_34 = tpu.memref_slice %arg9[%dma_start3A_32, %dma_start3A_33] : memref<26x512xf32, #tpu.memory_space<vmem>> -> memref<1x512xf32, #tpu.memory_space<vmem>>
    %dma_start3A_35 = tpu.memref_squeeze %dma_start3A_34 : memref<1x512xf32, #tpu.memory_space<vmem>> -> memref<512xf32, #tpu.memory_space<vmem>>
    %dma_start3A_36 = arith.constant 0 : i32
    %dma_start3A_37 = tpu.memref_slice %arg7[%dma_start3A_31, %dma_start3A_36] : memref<26x512xi32, #tpu.memory_space<vmem>> -> memref<1x512xi32, #tpu.memory_space<vmem>>
    %dma_start3A_38 = tpu.memref_squeeze %dma_start3A_37 : memref<1x512xi32, #tpu.memory_space<vmem>> -> memref<512xi32, #tpu.memory_space<vmem>>
    %dma_start3A_39 = arith.constant 0 : i32
    %dma_start3A_40 = tpu.memref_slice %arg12[%dma_start3A_39] : memref<1000064xf32, #tpu.memory_space<vmem_shared>> -> memref<1000064xf32, #tpu.memory_space<vmem_shared>>
    tpu.enqueue_indirect_dma source(%dma_start3A_40 : memref<1000064xf32, #tpu.memory_space<vmem_shared>>) target(%dma_start3A_35 : memref<512xf32, #tpu.memory_space<vmem>>) offsets(%dma_start3A_38 : memref<512xi32, #tpu.memory_space<vmem>>) semaphore(%arg13 : memref<!tpu.dma_semaphore, #tpu.memory_space<semaphore_mem>>)
    %dma_start3A_41 = arith.constant 3 : i32
    %dma_start3A_42 = arith.constant 3 : i32
    %dma_start3A_43 = arith.constant 0 : i32
    %dma_start3A_44 = tpu.memref_slice %arg9[%dma_start3A_42, %dma_start3A_43] : memref<26x512xf32, #tpu.memory_space<vmem>> -> memref<1x512xf32, #tpu.memory_space<vmem>>
    %dma_start3A_45 = tpu.memref_squeeze %dma_start3A_44 : memref<1x512xf32, #tpu.memory_space<vmem>> -> memref<512xf32, #tpu.memory_space<vmem>>
    %dma_start3A_46 = arith.constant 0 : i32
    %dma_start3A_47 = tpu.memref_slice %arg7[%dma_start3A_41, %dma_start3A_46] : memref<26x512xi32, #tpu.memory_space<vmem>> -> memref<1x512xi32, #tpu.memory_space<vmem>>
    %dma_start3A_48 = tpu.memref_squeeze %dma_start3A_47 : memref<1x512xi32, #tpu.memory_space<vmem>> -> memref<512xi32, #tpu.memory_space<vmem>>
    %dma_start3A_49 = arith.constant 0 : i32
    %dma_start3A_50 = tpu.memref_slice %arg12[%dma_start3A_49] : memref<1000064xf32, #tpu.memory_space<vmem_shared>> -> memref<1000064xf32, #tpu.memory_space<vmem_shared>>
    tpu.enqueue_indirect_dma source(%dma_start3A_50 : memref<1000064xf32, #tpu.memory_space<vmem_shared>>) target(%dma_start3A_45 : memref<512xf32, #tpu.memory_space<vmem>>) offsets(%dma_start3A_48 : memref<512xi32, #tpu.memory_space<vmem>>) semaphore(%arg13 : memref<!tpu.dma_semaphore, #tpu.memory_space<semaphore_mem>>)
    %dma_start3A_51 = arith.constant 4 : i32
    %dma_start3A_52 = arith.constant 4 : i32
    %dma_start3A_53 = arith.constant 0 : i32
    %dma_start3A_54 = tpu.memref_slice %arg9[%dma_start3A_52, %dma_start3A_53] : memref<26x512xf32, #tpu.memory_space<vmem>> -> memref<1x512xf32, #tpu.memory_space<vmem>>
    %dma_start3A_55 = tpu.memref_squeeze %dma_start3A_54 : memref<1x512xf32, #tpu.memory_space<vmem>> -> memref<512xf32, #tpu.memory_space<vmem>>
    %dma_start3A_56 = arith.constant 0 : i32
    %dma_start3A_57 = tpu.memref_slice %arg7[%dma_start3A_51, %dma_start3A_56] : memref<26x512xi32, #tpu.memory_space<vmem>> -> memref<1x512xi32, #tpu.memory_space<vmem>>
    %dma_start3A_58 = tpu.memref_squeeze %dma_start3A_57 : memref<1x512xi32, #tpu.memory_space<vmem>> -> memref<512xi32, #tpu.memory_space<vmem>>
    %dma_start3A_59 = arith.constant 0 : i32
    %dma_start3A_60 = tpu.memref_slice %arg12[%dma_start3A_59] : memref<1000064xf32, #tpu.memory_space<vmem_shared>> -> memref<1000064xf32, #tpu.memory_space<vmem_shared>>
    tpu.enqueue_indirect_dma source(%dma_start3A_60 : memref<1000064xf32, #tpu.memory_space<vmem_shared>>) target(%dma_start3A_55 : memref<512xf32, #tpu.memory_space<vmem>>) offsets(%dma_start3A_58 : memref<512xi32, #tpu.memory_space<vmem>>) semaphore(%arg13 : memref<!tpu.dma_semaphore, #tpu.memory_space<semaphore_mem>>)
    %dma_start3A_61 = arith.constant 5 : i32
    %dma_start3A_62 = arith.constant 5 : i32
    %dma_start3A_63 = arith.constant 0 : i32
    %dma_start3A_64 = tpu.memref_slice %arg9[%dma_start3A_62, %dma_start3A_63] : memref<26x512xf32, #tpu.memory_space<vmem>> -> memref<1x512xf32, #tpu.memory_space<vmem>>
    %dma_start3A_65 = tpu.memref_squeeze %dma_start3A_64 : memref<1x512xf32, #tpu.memory_space<vmem>> -> memref<512xf32, #tpu.memory_space<vmem>>
    %dma_start3A_66 = arith.constant 0 : i32
    %dma_start3A_67 = tpu.memref_slice %arg7[%dma_start3A_61, %dma_start3A_66] : memref<26x512xi32, #tpu.memory_space<vmem>> -> memref<1x512xi32, #tpu.memory_space<vmem>>
    %dma_start3A_68 = tpu.memref_squeeze %dma_start3A_67 : memref<1x512xi32, #tpu.memory_space<vmem>> -> memref<512xi32, #tpu.memory_space<vmem>>
    %dma_start3A_69 = arith.constant 0 : i32
    %dma_start3A_70 = tpu.memref_slice %arg12[%dma_start3A_69] : memref<1000064xf32, #tpu.memory_space<vmem_shared>> -> memref<1000064xf32, #tpu.memory_space<vmem_shared>>
    tpu.enqueue_indirect_dma source(%dma_start3A_70 : memref<1000064xf32, #tpu.memory_space<vmem_shared>>) target(%dma_start3A_65 : memref<512xf32, #tpu.memory_space<vmem>>) offsets(%dma_start3A_68 : memref<512xi32, #tpu.memory_space<vmem>>) semaphore(%arg13 : memref<!tpu.dma_semaphore, #tpu.memory_space<semaphore_mem>>)
    %dma_start3A_71 = arith.constant 6 : i32
    %dma_start3A_72 = arith.constant 6 : i32
    %dma_start3A_73 = arith.constant 0 : i32
    %dma_start3A_74 = tpu.memref_slice %arg9[%dma_start3A_72, %dma_start3A_73] : memref<26x512xf32, #tpu.memory_space<vmem>> -> memref<1x512xf32, #tpu.memory_space<vmem>>
    %dma_start3A_75 = tpu.memref_squeeze %dma_start3A_74 : memref<1x512xf32, #tpu.memory_space<vmem>> -> memref<512xf32, #tpu.memory_space<vmem>>
    %dma_start3A_76 = arith.constant 0 : i32
    %dma_start3A_77 = tpu.memref_slice %arg7[%dma_start3A_71, %dma_start3A_76] : memref<26x512xi32, #tpu.memory_space<vmem>> -> memref<1x512xi32, #tpu.memory_space<vmem>>
    %dma_start3A_78 = tpu.memref_squeeze %dma_start3A_77 : memref<1x512xi32, #tpu.memory_space<vmem>> -> memref<512xi32, #tpu.memory_space<vmem>>
    %dma_start3A_79 = arith.constant 0 : i32
    %dma_start3A_80 = tpu.memref_slice %arg12[%dma_start3A_79] : memref<1000064xf32, #tpu.memory_space<vmem_shared>> -> memref<1000064xf32, #tpu.memory_space<vmem_shared>>
    tpu.enqueue_indirect_dma source(%dma_start3A_80 : memref<1000064xf32, #tpu.memory_space<vmem_shared>>) target(%dma_start3A_75 : memref<512xf32, #tpu.memory_space<vmem>>) offsets(%dma_start3A_78 : memref<512xi32, #tpu.memory_space<vmem>>) semaphore(%arg13 : memref<!tpu.dma_semaphore, #tpu.memory_space<semaphore_mem>>)
    %dma_start3A_81 = arith.constant 7 : i32
    %dma_start3A_82 = arith.constant 7 : i32
    %dma_start3A_83 = arith.constant 0 : i32
    %dma_start3A_84 = tpu.memref_slice %arg9[%dma_start3A_82, %dma_start3A_83] : memref<26x512xf32, #tpu.memory_space<vmem>> -> memref<1x512xf32, #tpu.memory_space<vmem>>
    %dma_start3A_85 = tpu.memref_squeeze %dma_start3A_84 : memref<1x512xf32, #tpu.memory_space<vmem>> -> memref<512xf32, #tpu.memory_space<vmem>>
    %dma_start3A_86 = arith.constant 0 : i32
    %dma_start3A_87 = tpu.memref_slice %arg7[%dma_start3A_81, %dma_start3A_86] : memref<26x512xi32, #tpu.memory_space<vmem>> -> memref<1x512xi32, #tpu.memory_space<vmem>>
    %dma_start3A_88 = tpu.memref_squeeze %dma_start3A_87 : memref<1x512xi32, #tpu.memory_space<vmem>> -> memref<512xi32, #tpu.memory_space<vmem>>
    %dma_start3A_89 = arith.constant 0 : i32
    %dma_start3A_90 = tpu.memref_slice %arg12[%dma_start3A_89] : memref<1000064xf32, #tpu.memory_space<vmem_shared>> -> memref<1000064xf32, #tpu.memory_space<vmem_shared>>
    tpu.enqueue_indirect_dma source(%dma_start3A_90 : memref<1000064xf32, #tpu.memory_space<vmem_shared>>) target(%dma_start3A_85 : memref<512xf32, #tpu.memory_space<vmem>>) offsets(%dma_start3A_88 : memref<512xi32, #tpu.memory_space<vmem>>) semaphore(%arg13 : memref<!tpu.dma_semaphore, #tpu.memory_space<semaphore_mem>>)
    %dma_start3A_91 = arith.constant 8 : i32
    %dma_start3A_92 = arith.constant 8 : i32
    %dma_start3A_93 = arith.constant 0 : i32
    %dma_start3A_94 = tpu.memref_slice %arg9[%dma_start3A_92, %dma_start3A_93] : memref<26x512xf32, #tpu.memory_space<vmem>> -> memref<1x512xf32, #tpu.memory_space<vmem>>
    %dma_start3A_95 = tpu.memref_squeeze %dma_start3A_94 : memref<1x512xf32, #tpu.memory_space<vmem>> -> memref<512xf32, #tpu.memory_space<vmem>>
    %dma_start3A_96 = arith.constant 0 : i32
    %dma_start3A_97 = tpu.memref_slice %arg7[%dma_start3A_91, %dma_start3A_96] : memref<26x512xi32, #tpu.memory_space<vmem>> -> memref<1x512xi32, #tpu.memory_space<vmem>>
    %dma_start3A_98 = tpu.memref_squeeze %dma_start3A_97 : memref<1x512xi32, #tpu.memory_space<vmem>> -> memref<512xi32, #tpu.memory_space<vmem>>
    %dma_start3A_99 = arith.constant 0 : i32
    %dma_start3A_100 = tpu.memref_slice %arg12[%dma_start3A_99] : memref<1000064xf32, #tpu.memory_space<vmem_shared>> -> memref<1000064xf32, #tpu.memory_space<vmem_shared>>
    tpu.enqueue_indirect_dma source(%dma_start3A_100 : memref<1000064xf32, #tpu.memory_space<vmem_shared>>) target(%dma_start3A_95 : memref<512xf32, #tpu.memory_space<vmem>>) offsets(%dma_start3A_98 : memref<512xi32, #tpu.memory_space<vmem>>) semaphore(%arg13 : memref<!tpu.dma_semaphore, #tpu.memory_space<semaphore_mem>>)
    %dma_start3A_101 = arith.constant 9 : i32
    %dma_start3A_102 = arith.constant 9 : i32
    %dma_start3A_103 = arith.constant 0 : i32
    %dma_start3A_104 = tpu.memref_slice %arg9[%dma_start3A_102, %dma_start3A_103] : memref<26x512xf32, #tpu.memory_space<vmem>> -> memref<1x512xf32, #tpu.memory_space<vmem>>
    %dma_start3A_105 = tpu.memref_squeeze %dma_start3A_104 : memref<1x512xf32, #tpu.memory_space<vmem>> -> memref<512xf32, #tpu.memory_space<vmem>>
    %dma_start3A_106 = arith.constant 0 : i32
    %dma_start3A_107 = tpu.memref_slice %arg7[%dma_start3A_101, %dma_start3A_106] : memref<26x512xi32, #tpu.memory_space<vmem>> -> memref<1x512xi32, #tpu.memory_space<vmem>>
    %dma_start3A_108 = tpu.memref_squeeze %dma_start3A_107 : memref<1x512xi32, #tpu.memory_space<vmem>> -> memref<512xi32, #tpu.memory_space<vmem>>
    %dma_start3A_109 = arith.constant 0 : i32
    %dma_start3A_110 = tpu.memref_slice %arg12[%dma_start3A_109] : memref<1000064xf32, #tpu.memory_space<vmem_shared>> -> memref<1000064xf32, #tpu.memory_space<vmem_shared>>
    tpu.enqueue_indirect_dma source(%dma_start3A_110 : memref<1000064xf32, #tpu.memory_space<vmem_shared>>) target(%dma_start3A_105 : memref<512xf32, #tpu.memory_space<vmem>>) offsets(%dma_start3A_108 : memref<512xi32, #tpu.memory_space<vmem>>) semaphore(%arg13 : memref<!tpu.dma_semaphore, #tpu.memory_space<semaphore_mem>>)
    %dma_start3A_111 = arith.constant 10 : i32
    %dma_start3A_112 = arith.constant 10 : i32
    %dma_start3A_113 = arith.constant 0 : i32
    %dma_start3A_114 = tpu.memref_slice %arg9[%dma_start3A_112, %dma_start3A_113] : memref<26x512xf32, #tpu.memory_space<vmem>> -> memref<1x512xf32, #tpu.memory_space<vmem>>
    %dma_start3A_115 = tpu.memref_squeeze %dma_start3A_114 : memref<1x512xf32, #tpu.memory_space<vmem>> -> memref<512xf32, #tpu.memory_space<vmem>>
    %dma_start3A_116 = arith.constant 0 : i32
    %dma_start3A_117 = tpu.memref_slice %arg7[%dma_start3A_111, %dma_start3A_116] : memref<26x512xi32, #tpu.memory_space<vmem>> -> memref<1x512xi32, #tpu.memory_space<vmem>>
    %dma_start3A_118 = tpu.memref_squeeze %dma_start3A_117 : memref<1x512xi32, #tpu.memory_space<vmem>> -> memref<512xi32, #tpu.memory_space<vmem>>
    %dma_start3A_119 = arith.constant 0 : i32
    %dma_start3A_120 = tpu.memref_slice %arg12[%dma_start3A_119] : memref<1000064xf32, #tpu.memory_space<vmem_shared>> -> memref<1000064xf32, #tpu.memory_space<vmem_shared>>
    tpu.enqueue_indirect_dma source(%dma_start3A_120 : memref<1000064xf32, #tpu.memory_space<vmem_shared>>) target(%dma_start3A_115 : memref<512xf32, #tpu.memory_space<vmem>>) offsets(%dma_start3A_118 : memref<512xi32, #tpu.memory_space<vmem>>) semaphore(%arg13 : memref<!tpu.dma_semaphore, #tpu.memory_space<semaphore_mem>>)
    %dma_start3A_121 = arith.constant 11 : i32
    %dma_start3A_122 = arith.constant 11 : i32
    %dma_start3A_123 = arith.constant 0 : i32
    %dma_start3A_124 = tpu.memref_slice %arg9[%dma_start3A_122, %dma_start3A_123] : memref<26x512xf32, #tpu.memory_space<vmem>> -> memref<1x512xf32, #tpu.memory_space<vmem>>
    %dma_start3A_125 = tpu.memref_squeeze %dma_start3A_124 : memref<1x512xf32, #tpu.memory_space<vmem>> -> memref<512xf32, #tpu.memory_space<vmem>>
    %dma_start3A_126 = arith.constant 0 : i32
    %dma_start3A_127 = tpu.memref_slice %arg7[%dma_start3A_121, %dma_start3A_126] : memref<26x512xi32, #tpu.memory_space<vmem>> -> memref<1x512xi32, #tpu.memory_space<vmem>>
    %dma_start3A_128 = tpu.memref_squeeze %dma_start3A_127 : memref<1x512xi32, #tpu.memory_space<vmem>> -> memref<512xi32, #tpu.memory_space<vmem>>
    %dma_start3A_129 = arith.constant 0 : i32
    %dma_start3A_130 = tpu.memref_slice %arg12[%dma_start3A_129] : memref<1000064xf32, #tpu.memory_space<vmem_shared>> -> memref<1000064xf32, #tpu.memory_space<vmem_shared>>
    tpu.enqueue_indirect_dma source(%dma_start3A_130 : memref<1000064xf32, #tpu.memory_space<vmem_shared>>) target(%dma_start3A_125 : memref<512xf32, #tpu.memory_space<vmem>>) offsets(%dma_start3A_128 : memref<512xi32, #tpu.memory_space<vmem>>) semaphore(%arg13 : memref<!tpu.dma_semaphore, #tpu.memory_space<semaphore_mem>>)
    %dma_start3A_131 = arith.constant 12 : i32
    %dma_start3A_132 = arith.constant 12 : i32
    %dma_start3A_133 = arith.constant 0 : i32
    %dma_start3A_134 = tpu.memref_slice %arg9[%dma_start3A_132, %dma_start3A_133] : memref<26x512xf32, #tpu.memory_space<vmem>> -> memref<1x512xf32, #tpu.memory_space<vmem>>
    %dma_start3A_135 = tpu.memref_squeeze %dma_start3A_134 : memref<1x512xf32, #tpu.memory_space<vmem>> -> memref<512xf32, #tpu.memory_space<vmem>>
    %dma_start3A_136 = arith.constant 0 : i32
    %dma_start3A_137 = tpu.memref_slice %arg7[%dma_start3A_131, %dma_start3A_136] : memref<26x512xi32, #tpu.memory_space<vmem>> -> memref<1x512xi32, #tpu.memory_space<vmem>>
    %dma_start3A_138 = tpu.memref_squeeze %dma_start3A_137 : memref<1x512xi32, #tpu.memory_space<vmem>> -> memref<512xi32, #tpu.memory_space<vmem>>
    %dma_start3A_139 = arith.constant 0 : i32
    %dma_start3A_140 = tpu.memref_slice %arg12[%dma_start3A_139] : memref<1000064xf32, #tpu.memory_space<vmem_shared>> -> memref<1000064xf32, #tpu.memory_space<vmem_shared>>
    tpu.enqueue_indirect_dma source(%dma_start3A_140 : memref<1000064xf32, #tpu.memory_space<vmem_shared>>) target(%dma_start3A_135 : memref<512xf32, #tpu.memory_space<vmem>>) offsets(%dma_start3A_138 : memref<512xi32, #tpu.memory_space<vmem>>) semaphore(%arg13 : memref<!tpu.dma_semaphore, #tpu.memory_space<semaphore_mem>>)
    %dma_start3A_141 = arith.constant 13 : i32
    %dma_start3A_142 = arith.constant 13 : i32
    %dma_start3A_143 = arith.constant 0 : i32
    %dma_start3A_144 = tpu.memref_slice %arg9[%dma_start3A_142, %dma_start3A_143] : memref<26x512xf32, #tpu.memory_space<vmem>> -> memref<1x512xf32, #tpu.memory_space<vmem>>
    %dma_start3A_145 = tpu.memref_squeeze %dma_start3A_144 : memref<1x512xf32, #tpu.memory_space<vmem>> -> memref<512xf32, #tpu.memory_space<vmem>>
    %dma_start3A_146 = arith.constant 0 : i32
    %dma_start3A_147 = tpu.memref_slice %arg7[%dma_start3A_141, %dma_start3A_146] : memref<26x512xi32, #tpu.memory_space<vmem>> -> memref<1x512xi32, #tpu.memory_space<vmem>>
    %dma_start3A_148 = tpu.memref_squeeze %dma_start3A_147 : memref<1x512xi32, #tpu.memory_space<vmem>> -> memref<512xi32, #tpu.memory_space<vmem>>
    %dma_start3A_149 = arith.constant 0 : i32
    %dma_start3A_150 = tpu.memref_slice %arg12[%dma_start3A_149] : memref<1000064xf32, #tpu.memory_space<vmem_shared>> -> memref<1000064xf32, #tpu.memory_space<vmem_shared>>
    tpu.enqueue_indirect_dma source(%dma_start3A_150 : memref<1000064xf32, #tpu.memory_space<vmem_shared>>) target(%dma_start3A_145 : memref<512xf32, #tpu.memory_space<vmem>>) offsets(%dma_start3A_148 : memref<512xi32, #tpu.memory_space<vmem>>) semaphore(%arg13 : memref<!tpu.dma_semaphore, #tpu.memory_space<semaphore_mem>>)
    %dma_start3A_151 = arith.constant 14 : i32
    %dma_start3A_152 = arith.constant 14 : i32
    %dma_start3A_153 = arith.constant 0 : i32
    %dma_start3A_154 = tpu.memref_slice %arg9[%dma_start3A_152, %dma_start3A_153] : memref<26x512xf32, #tpu.memory_space<vmem>> -> memref<1x512xf32, #tpu.memory_space<vmem>>
    %dma_start3A_155 = tpu.memref_squeeze %dma_start3A_154 : memref<1x512xf32, #tpu.memory_space<vmem>> -> memref<512xf32, #tpu.memory_space<vmem>>
    %dma_start3A_156 = arith.constant 0 : i32
    %dma_start3A_157 = tpu.memref_slice %arg7[%dma_start3A_151, %dma_start3A_156] : memref<26x512xi32, #tpu.memory_space<vmem>> -> memref<1x512xi32, #tpu.memory_space<vmem>>
    %dma_start3A_158 = tpu.memref_squeeze %dma_start3A_157 : memref<1x512xi32, #tpu.memory_space<vmem>> -> memref<512xi32, #tpu.memory_space<vmem>>
    %dma_start3A_159 = arith.constant 0 : i32
    %dma_start3A_160 = tpu.memref_slice %arg12[%dma_start3A_159] : memref<1000064xf32, #tpu.memory_space<vmem_shared>> -> memref<1000064xf32, #tpu.memory_space<vmem_shared>>
    tpu.enqueue_indirect_dma source(%dma_start3A_160 : memref<1000064xf32, #tpu.memory_space<vmem_shared>>) target(%dma_start3A_155 : memref<512xf32, #tpu.memory_space<vmem>>) offsets(%dma_start3A_158 : memref<512xi32, #tpu.memory_space<vmem>>) semaphore(%arg13 : memref<!tpu.dma_semaphore, #tpu.memory_space<semaphore_mem>>)
    %dma_start3A_161 = arith.constant 15 : i32
    %dma_start3A_162 = arith.constant 15 : i32
    %dma_start3A_163 = arith.constant 0 : i32
    %dma_start3A_164 = tpu.memref_slice %arg9[%dma_start3A_162, %dma_start3A_163] : memref<26x512xf32, #tpu.memory_space<vmem>> -> memref<1x512xf32, #tpu.memory_space<vmem>>
    %dma_start3A_165 = tpu.memref_squeeze %dma_start3A_164 : memref<1x512xf32, #tpu.memory_space<vmem>> -> memref<512xf32, #tpu.memory_space<vmem>>
    %dma_start3A_166 = arith.constant 0 : i32
    %dma_start3A_167 = tpu.memref_slice %arg7[%dma_start3A_161, %dma_start3A_166] : memref<26x512xi32, #tpu.memory_space<vmem>> -> memref<1x512xi32, #tpu.memory_space<vmem>>
    %dma_start3A_168 = tpu.memref_squeeze %dma_start3A_167 : memref<1x512xi32, #tpu.memory_space<vmem>> -> memref<512xi32, #tpu.memory_space<vmem>>
    %dma_start3A_169 = arith.constant 0 : i32
    %dma_start3A_170 = tpu.memref_slice %arg12[%dma_start3A_169] : memref<1000064xf32, #tpu.memory_space<vmem_shared>> -> memref<1000064xf32, #tpu.memory_space<vmem_shared>>
    tpu.enqueue_indirect_dma source(%dma_start3A_170 : memref<1000064xf32, #tpu.memory_space<vmem_shared>>) target(%dma_start3A_165 : memref<512xf32, #tpu.memory_space<vmem>>) offsets(%dma_start3A_168 : memref<512xi32, #tpu.memory_space<vmem>>) semaphore(%arg13 : memref<!tpu.dma_semaphore, #tpu.memory_space<semaphore_mem>>)
    %dma_start3A_171 = arith.constant 16 : i32
    %dma_start3A_172 = arith.constant 16 : i32
    %dma_start3A_173 = arith.constant 0 : i32
    %dma_start3A_174 = tpu.memref_slice %arg9[%dma_start3A_172, %dma_start3A_173] : memref<26x512xf32, #tpu.memory_space<vmem>> -> memref<1x512xf32, #tpu.memory_space<vmem>>
    %dma_start3A_175 = tpu.memref_squeeze %dma_start3A_174 : memref<1x512xf32, #tpu.memory_space<vmem>> -> memref<512xf32, #tpu.memory_space<vmem>>
    %dma_start3A_176 = arith.constant 0 : i32
    %dma_start3A_177 = tpu.memref_slice %arg7[%dma_start3A_171, %dma_start3A_176] : memref<26x512xi32, #tpu.memory_space<vmem>> -> memref<1x512xi32, #tpu.memory_space<vmem>>
    %dma_start3A_178 = tpu.memref_squeeze %dma_start3A_177 : memref<1x512xi32, #tpu.memory_space<vmem>> -> memref<512xi32, #tpu.memory_space<vmem>>
    %dma_start3A_179 = arith.constant 0 : i32
    %dma_start3A_180 = tpu.memref_slice %arg12[%dma_start3A_179] : memref<1000064xf32, #tpu.memory_space<vmem_shared>> -> memref<1000064xf32, #tpu.memory_space<vmem_shared>>
    tpu.enqueue_indirect_dma source(%dma_start3A_180 : memref<1000064xf32, #tpu.memory_space<vmem_shared>>) target(%dma_start3A_175 : memref<512xf32, #tpu.memory_space<vmem>>) offsets(%dma_start3A_178 : memref<512xi32, #tpu.memory_space<vmem>>) semaphore(%arg13 : memref<!tpu.dma_semaphore, #tpu.memory_space<semaphore_mem>>)
    %dma_start3A_181 = arith.constant 17 : i32
    %dma_start3A_182 = arith.constant 17 : i32
    %dma_start3A_183 = arith.constant 0 : i32
    %dma_start3A_184 = tpu.memref_slice %arg9[%dma_start3A_182, %dma_start3A_183] : memref<26x512xf32, #tpu.memory_space<vmem>> -> memref<1x512xf32, #tpu.memory_space<vmem>>
    %dma_start3A_185 = tpu.memref_squeeze %dma_start3A_184 : memref<1x512xf32, #tpu.memory_space<vmem>> -> memref<512xf32, #tpu.memory_space<vmem>>
    %dma_start3A_186 = arith.constant 0 : i32
    %dma_start3A_187 = tpu.memref_slice %arg7[%dma_start3A_181, %dma_start3A_186] : memref<26x512xi32, #tpu.memory_space<vmem>> -> memref<1x512xi32, #tpu.memory_space<vmem>>
    %dma_start3A_188 = tpu.memref_squeeze %dma_start3A_187 : memref<1x512xi32, #tpu.memory_space<vmem>> -> memref<512xi32, #tpu.memory_space<vmem>>
    %dma_start3A_189 = arith.constant 0 : i32
    %dma_start3A_190 = tpu.memref_slice %arg12[%dma_start3A_189] : memref<1000064xf32, #tpu.memory_space<vmem_shared>> -> memref<1000064xf32, #tpu.memory_space<vmem_shared>>
    tpu.enqueue_indirect_dma source(%dma_start3A_190 : memref<1000064xf32, #tpu.memory_space<vmem_shared>>) target(%dma_start3A_185 : memref<512xf32, #tpu.memory_space<vmem>>) offsets(%dma_start3A_188 : memref<512xi32, #tpu.memory_space<vmem>>) semaphore(%arg13 : memref<!tpu.dma_semaphore, #tpu.memory_space<semaphore_mem>>)
    %dma_start3A_191 = arith.constant 18 : i32
    %dma_start3A_192 = arith.constant 18 : i32
    %dma_start3A_193 = arith.constant 0 : i32
    %dma_start3A_194 = tpu.memref_slice %arg9[%dma_start3A_192, %dma_start3A_193] : memref<26x512xf32, #tpu.memory_space<vmem>> -> memref<1x512xf32, #tpu.memory_space<vmem>>
    %dma_start3A_195 = tpu.memref_squeeze %dma_start3A_194 : memref<1x512xf32, #tpu.memory_space<vmem>> -> memref<512xf32, #tpu.memory_space<vmem>>
    %dma_start3A_196 = arith.constant 0 : i32
    %dma_start3A_197 = tpu.memref_slice %arg7[%dma_start3A_191, %dma_start3A_196] : memref<26x512xi32, #tpu.memory_space<vmem>> -> memref<1x512xi32, #tpu.memory_space<vmem>>
    %dma_start3A_198 = tpu.memref_squeeze %dma_start3A_197 : memref<1x512xi32, #tpu.memory_space<vmem>> -> memref<512xi32, #tpu.memory_space<vmem>>
    %dma_start3A_199 = arith.constant 0 : i32
    %dma_start3A_200 = tpu.memref_slice %arg12[%dma_start3A_199] : memref<1000064xf32, #tpu.memory_space<vmem_shared>> -> memref<1000064xf32, #tpu.memory_space<vmem_shared>>
    tpu.enqueue_indirect_dma source(%dma_start3A_200 : memref<1000064xf32, #tpu.memory_space<vmem_shared>>) target(%dma_start3A_195 : memref<512xf32, #tpu.memory_space<vmem>>) offsets(%dma_start3A_198 : memref<512xi32, #tpu.memory_space<vmem>>) semaphore(%arg13 : memref<!tpu.dma_semaphore, #tpu.memory_space<semaphore_mem>>)
    %dma_start3A_201 = arith.constant 19 : i32
    %dma_start3A_202 = arith.constant 19 : i32
    %dma_start3A_203 = arith.constant 0 : i32
    %dma_start3A_204 = tpu.memref_slice %arg9[%dma_start3A_202, %dma_start3A_203] : memref<26x512xf32, #tpu.memory_space<vmem>> -> memref<1x512xf32, #tpu.memory_space<vmem>>
    %dma_start3A_205 = tpu.memref_squeeze %dma_start3A_204 : memref<1x512xf32, #tpu.memory_space<vmem>> -> memref<512xf32, #tpu.memory_space<vmem>>
    %dma_start3A_206 = arith.constant 0 : i32
    %dma_start3A_207 = tpu.memref_slice %arg7[%dma_start3A_201, %dma_start3A_206] : memref<26x512xi32, #tpu.memory_space<vmem>> -> memref<1x512xi32, #tpu.memory_space<vmem>>
    %dma_start3A_208 = tpu.memref_squeeze %dma_start3A_207 : memref<1x512xi32, #tpu.memory_space<vmem>> -> memref<512xi32, #tpu.memory_space<vmem>>
    %dma_start3A_209 = arith.constant 0 : i32
    %dma_start3A_210 = tpu.memref_slice %arg12[%dma_start3A_209] : memref<1000064xf32, #tpu.memory_space<vmem_shared>> -> memref<1000064xf32, #tpu.memory_space<vmem_shared>>
    tpu.enqueue_indirect_dma source(%dma_start3A_210 : memref<1000064xf32, #tpu.memory_space<vmem_shared>>) target(%dma_start3A_205 : memref<512xf32, #tpu.memory_space<vmem>>) offsets(%dma_start3A_208 : memref<512xi32, #tpu.memory_space<vmem>>) semaphore(%arg13 : memref<!tpu.dma_semaphore, #tpu.memory_space<semaphore_mem>>)
    %dma_start3A_211 = arith.constant 20 : i32
    %dma_start3A_212 = arith.constant 20 : i32
    %dma_start3A_213 = arith.constant 0 : i32
    %dma_start3A_214 = tpu.memref_slice %arg9[%dma_start3A_212, %dma_start3A_213] : memref<26x512xf32, #tpu.memory_space<vmem>> -> memref<1x512xf32, #tpu.memory_space<vmem>>
    %dma_start3A_215 = tpu.memref_squeeze %dma_start3A_214 : memref<1x512xf32, #tpu.memory_space<vmem>> -> memref<512xf32, #tpu.memory_space<vmem>>
    %dma_start3A_216 = arith.constant 0 : i32
    %dma_start3A_217 = tpu.memref_slice %arg7[%dma_start3A_211, %dma_start3A_216] : memref<26x512xi32, #tpu.memory_space<vmem>> -> memref<1x512xi32, #tpu.memory_space<vmem>>
    %dma_start3A_218 = tpu.memref_squeeze %dma_start3A_217 : memref<1x512xi32, #tpu.memory_space<vmem>> -> memref<512xi32, #tpu.memory_space<vmem>>
    %dma_start3A_219 = arith.constant 0 : i32
    %dma_start3A_220 = tpu.memref_slice %arg12[%dma_start3A_219] : memref<1000064xf32, #tpu.memory_space<vmem_shared>> -> memref<1000064xf32, #tpu.memory_space<vmem_shared>>
    tpu.enqueue_indirect_dma source(%dma_start3A_220 : memref<1000064xf32, #tpu.memory_space<vmem_shared>>) target(%dma_start3A_215 : memref<512xf32, #tpu.memory_space<vmem>>) offsets(%dma_start3A_218 : memref<512xi32, #tpu.memory_space<vmem>>) semaphore(%arg13 : memref<!tpu.dma_semaphore, #tpu.memory_space<semaphore_mem>>)
    %dma_start3A_221 = arith.constant 21 : i32
    %dma_start3A_222 = arith.constant 21 : i32
    %dma_start3A_223 = arith.constant 0 : i32
    %dma_start3A_224 = tpu.memref_slice %arg9[%dma_start3A_222, %dma_start3A_223] : memref<26x512xf32, #tpu.memory_space<vmem>> -> memref<1x512xf32, #tpu.memory_space<vmem>>
    %dma_start3A_225 = tpu.memref_squeeze %dma_start3A_224 : memref<1x512xf32, #tpu.memory_space<vmem>> -> memref<512xf32, #tpu.memory_space<vmem>>
    %dma_start3A_226 = arith.constant 0 : i32
    %dma_start3A_227 = tpu.memref_slice %arg7[%dma_start3A_221, %dma_start3A_226] : memref<26x512xi32, #tpu.memory_space<vmem>> -> memref<1x512xi32, #tpu.memory_space<vmem>>
    %dma_start3A_228 = tpu.memref_squeeze %dma_start3A_227 : memref<1x512xi32, #tpu.memory_space<vmem>> -> memref<512xi32, #tpu.memory_space<vmem>>
    %dma_start3A_229 = arith.constant 0 : i32
    %dma_start3A_230 = tpu.memref_slice %arg12[%dma_start3A_229] : memref<1000064xf32, #tpu.memory_space<vmem_shared>> -> memref<1000064xf32, #tpu.memory_space<vmem_shared>>
    tpu.enqueue_indirect_dma source(%dma_start3A_230 : memref<1000064xf32, #tpu.memory_space<vmem_shared>>) target(%dma_start3A_225 : memref<512xf32, #tpu.memory_space<vmem>>) offsets(%dma_start3A_228 : memref<512xi32, #tpu.memory_space<vmem>>) semaphore(%arg13 : memref<!tpu.dma_semaphore, #tpu.memory_space<semaphore_mem>>)
    %dma_start3A_231 = arith.constant 22 : i32
    %dma_start3A_232 = arith.constant 22 : i32
    %dma_start3A_233 = arith.constant 0 : i32
    %dma_start3A_234 = tpu.memref_slice %arg9[%dma_start3A_232, %dma_start3A_233] : memref<26x512xf32, #tpu.memory_space<vmem>> -> memref<1x512xf32, #tpu.memory_space<vmem>>
    %dma_start3A_235 = tpu.memref_squeeze %dma_start3A_234 : memref<1x512xf32, #tpu.memory_space<vmem>> -> memref<512xf32, #tpu.memory_space<vmem>>
    %dma_start3A_236 = arith.constant 0 : i32
    %dma_start3A_237 = tpu.memref_slice %arg7[%dma_start3A_231, %dma_start3A_236] : memref<26x512xi32, #tpu.memory_space<vmem>> -> memref<1x512xi32, #tpu.memory_space<vmem>>
    %dma_start3A_238 = tpu.memref_squeeze %dma_start3A_237 : memref<1x512xi32, #tpu.memory_space<vmem>> -> memref<512xi32, #tpu.memory_space<vmem>>
    %dma_start3A_239 = arith.constant 0 : i32
    %dma_start3A_240 = tpu.memref_slice %arg12[%dma_start3A_239] : memref<1000064xf32, #tpu.memory_space<vmem_shared>> -> memref<1000064xf32, #tpu.memory_space<vmem_shared>>
    tpu.enqueue_indirect_dma source(%dma_start3A_240 : memref<1000064xf32, #tpu.memory_space<vmem_shared>>) target(%dma_start3A_235 : memref<512xf32, #tpu.memory_space<vmem>>) offsets(%dma_start3A_238 : memref<512xi32, #tpu.memory_space<vmem>>) semaphore(%arg13 : memref<!tpu.dma_semaphore, #tpu.memory_space<semaphore_mem>>)
    %dma_start3A_241 = arith.constant 23 : i32
    %dma_start3A_242 = arith.constant 23 : i32
    %dma_start3A_243 = arith.constant 0 : i32
    %dma_start3A_244 = tpu.memref_slice %arg9[%dma_start3A_242, %dma_start3A_243] : memref<26x512xf32, #tpu.memory_space<vmem>> -> memref<1x512xf32, #tpu.memory_space<vmem>>
    %dma_start3A_245 = tpu.memref_squeeze %dma_start3A_244 : memref<1x512xf32, #tpu.memory_space<vmem>> -> memref<512xf32, #tpu.memory_space<vmem>>
    %dma_start3A_246 = arith.constant 0 : i32
    %dma_start3A_247 = tpu.memref_slice %arg7[%dma_start3A_241, %dma_start3A_246] : memref<26x512xi32, #tpu.memory_space<vmem>> -> memref<1x512xi32, #tpu.memory_space<vmem>>
    %dma_start3A_248 = tpu.memref_squeeze %dma_start3A_247 : memref<1x512xi32, #tpu.memory_space<vmem>> -> memref<512xi32, #tpu.memory_space<vmem>>
    %dma_start3A_249 = arith.constant 0 : i32
    %dma_start3A_250 = tpu.memref_slice %arg12[%dma_start3A_249] : memref<1000064xf32, #tpu.memory_space<vmem_shared>> -> memref<1000064xf32, #tpu.memory_space<vmem_shared>>
    tpu.enqueue_indirect_dma source(%dma_start3A_250 : memref<1000064xf32, #tpu.memory_space<vmem_shared>>) target(%dma_start3A_245 : memref<512xf32, #tpu.memory_space<vmem>>) offsets(%dma_start3A_248 : memref<512xi32, #tpu.memory_space<vmem>>) semaphore(%arg13 : memref<!tpu.dma_semaphore, #tpu.memory_space<semaphore_mem>>)
    %dma_start3A_251 = arith.constant 24 : i32
    %dma_start3A_252 = arith.constant 24 : i32
    %dma_start3A_253 = arith.constant 0 : i32
    %dma_start3A_254 = tpu.memref_slice %arg9[%dma_start3A_252, %dma_start3A_253] : memref<26x512xf32, #tpu.memory_space<vmem>> -> memref<1x512xf32, #tpu.memory_space<vmem>>
    %dma_start3A_255 = tpu.memref_squeeze %dma_start3A_254 : memref<1x512xf32, #tpu.memory_space<vmem>> -> memref<512xf32, #tpu.memory_space<vmem>>
    %dma_start3A_256 = arith.constant 0 : i32
    %dma_start3A_257 = tpu.memref_slice %arg7[%dma_start3A_251, %dma_start3A_256] : memref<26x512xi32, #tpu.memory_space<vmem>> -> memref<1x512xi32, #tpu.memory_space<vmem>>
    %dma_start3A_258 = tpu.memref_squeeze %dma_start3A_257 : memref<1x512xi32, #tpu.memory_space<vmem>> -> memref<512xi32, #tpu.memory_space<vmem>>
    %dma_start3A_259 = arith.constant 0 : i32
    %dma_start3A_260 = tpu.memref_slice %arg12[%dma_start3A_259] : memref<1000064xf32, #tpu.memory_space<vmem_shared>> -> memref<1000064xf32, #tpu.memory_space<vmem_shared>>
    tpu.enqueue_indirect_dma source(%dma_start3A_260 : memref<1000064xf32, #tpu.memory_space<vmem_shared>>) target(%dma_start3A_255 : memref<512xf32, #tpu.memory_space<vmem>>) offsets(%dma_start3A_258 : memref<512xi32, #tpu.memory_space<vmem>>) semaphore(%arg13 : memref<!tpu.dma_semaphore, #tpu.memory_space<semaphore_mem>>)
    %dma_start3A_261 = arith.constant 25 : i32
    %dma_start3A_262 = arith.constant 25 : i32
    %dma_start3A_263 = arith.constant 0 : i32
    %dma_start3A_264 = tpu.memref_slice %arg9[%dma_start3A_262, %dma_start3A_263] : memref<26x512xf32, #tpu.memory_space<vmem>> -> memref<1x512xf32, #tpu.memory_space<vmem>>
    %dma_start3A_265 = tpu.memref_squeeze %dma_start3A_264 : memref<1x512xf32, #tpu.memory_space<vmem>> -> memref<512xf32, #tpu.memory_space<vmem>>
    %dma_start3A_266 = arith.constant 0 : i32
    %dma_start3A_267 = tpu.memref_slice %arg7[%dma_start3A_261, %dma_start3A_266] : memref<26x512xi32, #tpu.memory_space<vmem>> -> memref<1x512xi32, #tpu.memory_space<vmem>>
    %dma_start3A_268 = tpu.memref_squeeze %dma_start3A_267 : memref<1x512xi32, #tpu.memory_space<vmem>> -> memref<512xi32, #tpu.memory_space<vmem>>
    %dma_start3A_269 = arith.constant 0 : i32
    %dma_start3A_270 = tpu.memref_slice %arg12[%dma_start3A_269] : memref<1000064xf32, #tpu.memory_space<vmem_shared>> -> memref<1000064xf32, #tpu.memory_space<vmem_shared>>
    tpu.enqueue_indirect_dma source(%dma_start3A_270 : memref<1000064xf32, #tpu.memory_space<vmem_shared>>) target(%dma_start3A_265 : memref<512xf32, #tpu.memory_space<vmem>>) offsets(%dma_start3A_268 : memref<512xi32, #tpu.memory_space<vmem>>) semaphore(%arg13 : memref<!tpu.dma_semaphore, #tpu.memory_space<semaphore_mem>>)
    %dma_wait3A_271 = arith.constant 0 : i32
    %dma_wait3A_272 = arith.constant 0 : i32
    %dma_wait3A_273 = arith.constant 0 : i32
    %dma_wait3A_274 = tpu.memref_slice %arg9[%dma_wait3A_272, %dma_wait3A_273] : memref<26x512xf32, #tpu.memory_space<vmem>> -> memref<1x512xf32, #tpu.memory_space<vmem>>
    %dma_wait3A_275 = tpu.memref_squeeze %dma_wait3A_274 : memref<1x512xf32, #tpu.memory_space<vmem>> -> memref<512xf32, #tpu.memory_space<vmem>>
    %dma_wait3A_276 = arith.constant 0 : i32
    %dma_wait3A_277 = tpu.memref_slice %arg7[%dma_wait3A_271, %dma_wait3A_276] : memref<26x512xi32, #tpu.memory_space<vmem>> -> memref<1x512xi32, #tpu.memory_space<vmem>>
    %dma_wait3A_278 = tpu.memref_squeeze %dma_wait3A_277 : memref<1x512xi32, #tpu.memory_space<vmem>> -> memref<512xi32, #tpu.memory_space<vmem>>
    %dma_wait3A_279 = arith.constant 0 : i32
    %dma_wait3A_280 = tpu.memref_slice %arg12[%dma_wait3A_279] : memref<1000064xf32, #tpu.memory_space<vmem_shared>> -> memref<1000064xf32, #tpu.memory_space<vmem_shared>>
    tpu.wait_indirect_dma semaphore(%arg13 : memref<!tpu.dma_semaphore, #tpu.memory_space<semaphore_mem>>) src(%dma_wait3A_280 : memref<1000064xf32, #tpu.memory_space<vmem_shared>>) dst(%dma_wait3A_275 : memref<512xf32, #tpu.memory_space<vmem>>)
    %dma_wait3A_281 = arith.constant 1 : i32
    %dma_wait3A_282 = arith.constant 1 : i32
    %dma_wait3A_283 = arith.constant 0 : i32
    %dma_wait3A_284 = tpu.memref_slice %arg9[%dma_wait3A_282, %dma_wait3A_283] : memref<26x512xf32, #tpu.memory_space<vmem>> -> memref<1x512xf32, #tpu.memory_space<vmem>>
    %dma_wait3A_285 = tpu.memref_squeeze %dma_wait3A_284 : memref<1x512xf32, #tpu.memory_space<vmem>> -> memref<512xf32, #tpu.memory_space<vmem>>
    %dma_wait3A_286 = arith.constant 0 : i32
    %dma_wait3A_287 = tpu.memref_slice %arg7[%dma_wait3A_281, %dma_wait3A_286] : memref<26x512xi32, #tpu.memory_space<vmem>> -> memref<1x512xi32, #tpu.memory_space<vmem>>
    %dma_wait3A_288 = tpu.memref_squeeze %dma_wait3A_287 : memref<1x512xi32, #tpu.memory_space<vmem>> -> memref<512xi32, #tpu.memory_space<vmem>>
    %dma_wait3A_289 = arith.constant 0 : i32
    %dma_wait3A_290 = tpu.memref_slice %arg12[%dma_wait3A_289] : memref<1000064xf32, #tpu.memory_space<vmem_shared>> -> memref<1000064xf32, #tpu.memory_space<vmem_shared>>
    tpu.wait_indirect_dma semaphore(%arg13 : memref<!tpu.dma_semaphore, #tpu.memory_space<semaphore_mem>>) src(%dma_wait3A_290 : memref<1000064xf32, #tpu.memory_space<vmem_shared>>) dst(%dma_wait3A_285 : memref<512xf32, #tpu.memory_space<vmem>>)
    %dma_wait3A_291 = arith.constant 2 : i32
    %dma_wait3A_292 = arith.constant 2 : i32
    %dma_wait3A_293 = arith.constant 0 : i32
    %dma_wait3A_294 = tpu.memref_slice %arg9[%dma_wait3A_292, %dma_wait3A_293] : memref<26x512xf32, #tpu.memory_space<vmem>> -> memref<1x512xf32, #tpu.memory_space<vmem>>
    %dma_wait3A_295 = tpu.memref_squeeze %dma_wait3A_294 : memref<1x512xf32, #tpu.memory_space<vmem>> -> memref<512xf32, #tpu.memory_space<vmem>>
    %dma_wait3A_296 = arith.constant 0 : i32
    %dma_wait3A_297 = tpu.memref_slice %arg7[%dma_wait3A_291, %dma_wait3A_296] : memref<26x512xi32, #tpu.memory_space<vmem>> -> memref<1x512xi32, #tpu.memory_space<vmem>>
    %dma_wait3A_298 = tpu.memref_squeeze %dma_wait3A_297 : memref<1x512xi32, #tpu.memory_space<vmem>> -> memref<512xi32, #tpu.memory_space<vmem>>
    %dma_wait3A_299 = arith.constant 0 : i32
    %dma_wait3A_300 = tpu.memref_slice %arg12[%dma_wait3A_299] : memref<1000064xf32, #tpu.memory_space<vmem_shared>> -> memref<1000064xf32, #tpu.memory_space<vmem_shared>>
    tpu.wait_indirect_dma semaphore(%arg13 : memref<!tpu.dma_semaphore, #tpu.memory_space<semaphore_mem>>) src(%dma_wait3A_300 : memref<1000064xf32, #tpu.memory_space<vmem_shared>>) dst(%dma_wait3A_295 : memref<512xf32, #tpu.memory_space<vmem>>)
    %dma_wait3A_301 = arith.constant 3 : i32
    %dma_wait3A_302 = arith.constant 3 : i32
    %dma_wait3A_303 = arith.constant 0 : i32
    %dma_wait3A_304 = tpu.memref_slice %arg9[%dma_wait3A_302, %dma_wait3A_303] : memref<26x512xf32, #tpu.memory_space<vmem>> -> memref<1x512xf32, #tpu.memory_space<vmem>>
    %dma_wait3A_305 = tpu.memref_squeeze %dma_wait3A_304 : memref<1x512xf32, #tpu.memory_space<vmem>> -> memref<512xf32, #tpu.memory_space<vmem>>
    %dma_wait3A_306 = arith.constant 0 : i32
    %dma_wait3A_307 = tpu.memref_slice %arg7[%dma_wait3A_301, %dma_wait3A_306] : memref<26x512xi32, #tpu.memory_space<vmem>> -> memref<1x512xi32, #tpu.memory_space<vmem>>
    %dma_wait3A_308 = tpu.memref_squeeze %dma_wait3A_307 : memref<1x512xi32, #tpu.memory_space<vmem>> -> memref<512xi32, #tpu.memory_space<vmem>>
    %dma_wait3A_309 = arith.constant 0 : i32
    %dma_wait3A_310 = tpu.memref_slice %arg12[%dma_wait3A_309] : memref<1000064xf32, #tpu.memory_space<vmem_shared>> -> memref<1000064xf32, #tpu.memory_space<vmem_shared>>
    tpu.wait_indirect_dma semaphore(%arg13 : memref<!tpu.dma_semaphore, #tpu.memory_space<semaphore_mem>>) src(%dma_wait3A_310 : memref<1000064xf32, #tpu.memory_space<vmem_shared>>) dst(%dma_wait3A_305 : memref<512xf32, #tpu.memory_space<vmem>>)
    %dma_wait3A_311 = arith.constant 4 : i32
    %dma_wait3A_312 = arith.constant 4 : i32
    %dma_wait3A_313 = arith.constant 0 : i32
    %dma_wait3A_314 = tpu.memref_slice %arg9[%dma_wait3A_312, %dma_wait3A_313] : memref<26x512xf32, #tpu.memory_space<vmem>> -> memref<1x512xf32, #tpu.memory_space<vmem>>
    %dma_wait3A_315 = tpu.memref_squeeze %dma_wait3A_314 : memref<1x512xf32, #tpu.memory_space<vmem>> -> memref<512xf32, #tpu.memory_space<vmem>>
    %dma_wait3A_316 = arith.constant 0 : i32
    %dma_wait3A_317 = tpu.memref_slice %arg7[%dma_wait3A_311, %dma_wait3A_316] : memref<26x512xi32, #tpu.memory_space<vmem>> -> memref<1x512xi32, #tpu.memory_space<vmem>>
    %dma_wait3A_318 = tpu.memref_squeeze %dma_wait3A_317 : memref<1x512xi32, #tpu.memory_space<vmem>> -> memref<512xi32, #tpu.memory_space<vmem>>
    %dma_wait3A_319 = arith.constant 0 : i32
    %dma_wait3A_320 = tpu.memref_slice %arg12[%dma_wait3A_319] : memref<1000064xf32, #tpu.memory_space<vmem_shared>> -> memref<1000064xf32, #tpu.memory_space<vmem_shared>>
    tpu.wait_indirect_dma semaphore(%arg13 : memref<!tpu.dma_semaphore, #tpu.memory_space<semaphore_mem>>) src(%dma_wait3A_320 : memref<1000064xf32, #tpu.memory_space<vmem_shared>>) dst(%dma_wait3A_315 : memref<512xf32, #tpu.memory_space<vmem>>)
    %dma_wait3A_321 = arith.constant 5 : i32
    %dma_wait3A_322 = arith.constant 5 : i32
    %dma_wait3A_323 = arith.constant 0 : i32
    %dma_wait3A_324 = tpu.memref_slice %arg9[%dma_wait3A_322, %dma_wait3A_323] : memref<26x512xf32, #tpu.memory_space<vmem>> -> memref<1x512xf32, #tpu.memory_space<vmem>>
    %dma_wait3A_325 = tpu.memref_squeeze %dma_wait3A_324 : memref<1x512xf32, #tpu.memory_space<vmem>> -> memref<512xf32, #tpu.memory_space<vmem>>
    %dma_wait3A_326 = arith.constant 0 : i32
    %dma_wait3A_327 = tpu.memref_slice %arg7[%dma_wait3A_321, %dma_wait3A_326] : memref<26x512xi32, #tpu.memory_space<vmem>> -> memref<1x512xi32, #tpu.memory_space<vmem>>
    %dma_wait3A_328 = tpu.memref_squeeze %dma_wait3A_327 : memref<1x512xi32, #tpu.memory_space<vmem>> -> memref<512xi32, #tpu.memory_space<vmem>>
    %dma_wait3A_329 = arith.constant 0 : i32
    %dma_wait3A_330 = tpu.memref_slice %arg12[%dma_wait3A_329] : memref<1000064xf32, #tpu.memory_space<vmem_shared>> -> memref<1000064xf32, #tpu.memory_space<vmem_shared>>
    tpu.wait_indirect_dma semaphore(%arg13 : memref<!tpu.dma_semaphore, #tpu.memory_space<semaphore_mem>>) src(%dma_wait3A_330 : memref<1000064xf32, #tpu.memory_space<vmem_shared>>) dst(%dma_wait3A_325 : memref<512xf32, #tpu.memory_space<vmem>>)
    %dma_wait3A_331 = arith.constant 6 : i32
    %dma_wait3A_332 = arith.constant 6 : i32
    %dma_wait3A_333 = arith.constant 0 : i32
    %dma_wait3A_334 = tpu.memref_slice %arg9[%dma_wait3A_332, %dma_wait3A_333] : memref<26x512xf32, #tpu.memory_space<vmem>> -> memref<1x512xf32, #tpu.memory_space<vmem>>
    %dma_wait3A_335 = tpu.memref_squeeze %dma_wait3A_334 : memref<1x512xf32, #tpu.memory_space<vmem>> -> memref<512xf32, #tpu.memory_space<vmem>>
    %dma_wait3A_336 = arith.constant 0 : i32
    %dma_wait3A_337 = tpu.memref_slice %arg7[%dma_wait3A_331, %dma_wait3A_336] : memref<26x512xi32, #tpu.memory_space<vmem>> -> memref<1x512xi32, #tpu.memory_space<vmem>>
    %dma_wait3A_338 = tpu.memref_squeeze %dma_wait3A_337 : memref<1x512xi32, #tpu.memory_space<vmem>> -> memref<512xi32, #tpu.memory_space<vmem>>
    %dma_wait3A_339 = arith.constant 0 : i32
    %dma_wait3A_340 = tpu.memref_slice %arg12[%dma_wait3A_339] : memref<1000064xf32, #tpu.memory_space<vmem_shared>> -> memref<1000064xf32, #tpu.memory_space<vmem_shared>>
    tpu.wait_indirect_dma semaphore(%arg13 : memref<!tpu.dma_semaphore, #tpu.memory_space<semaphore_mem>>) src(%dma_wait3A_340 : memref<1000064xf32, #tpu.memory_space<vmem_shared>>) dst(%dma_wait3A_335 : memref<512xf32, #tpu.memory_space<vmem>>)
    %dma_wait3A_341 = arith.constant 7 : i32
    %dma_wait3A_342 = arith.constant 7 : i32
    %dma_wait3A_343 = arith.constant 0 : i32
    %dma_wait3A_344 = tpu.memref_slice %arg9[%dma_wait3A_342, %dma_wait3A_343] : memref<26x512xf32, #tpu.memory_space<vmem>> -> memref<1x512xf32, #tpu.memory_space<vmem>>
    %dma_wait3A_345 = tpu.memref_squeeze %dma_wait3A_344 : memref<1x512xf32, #tpu.memory_space<vmem>> -> memref<512xf32, #tpu.memory_space<vmem>>
    %dma_wait3A_346 = arith.constant 0 : i32
    %dma_wait3A_347 = tpu.memref_slice %arg7[%dma_wait3A_341, %dma_wait3A_346] : memref<26x512xi32, #tpu.memory_space<vmem>> -> memref<1x512xi32, #tpu.memory_space<vmem>>
    %dma_wait3A_348 = tpu.memref_squeeze %dma_wait3A_347 : memref<1x512xi32, #tpu.memory_space<vmem>> -> memref<512xi32, #tpu.memory_space<vmem>>
    %dma_wait3A_349 = arith.constant 0 : i32
    %dma_wait3A_350 = tpu.memref_slice %arg12[%dma_wait3A_349] : memref<1000064xf32, #tpu.memory_space<vmem_shared>> -> memref<1000064xf32, #tpu.memory_space<vmem_shared>>
    tpu.wait_indirect_dma semaphore(%arg13 : memref<!tpu.dma_semaphore, #tpu.memory_space<semaphore_mem>>) src(%dma_wait3A_350 : memref<1000064xf32, #tpu.memory_space<vmem_shared>>) dst(%dma_wait3A_345 : memref<512xf32, #tpu.memory_space<vmem>>)
    %dma_wait3A_351 = arith.constant 8 : i32
    %dma_wait3A_352 = arith.constant 8 : i32
    %dma_wait3A_353 = arith.constant 0 : i32
    %dma_wait3A_354 = tpu.memref_slice %arg9[%dma_wait3A_352, %dma_wait3A_353] : memref<26x512xf32, #tpu.memory_space<vmem>> -> memref<1x512xf32, #tpu.memory_space<vmem>>
    %dma_wait3A_355 = tpu.memref_squeeze %dma_wait3A_354 : memref<1x512xf32, #tpu.memory_space<vmem>> -> memref<512xf32, #tpu.memory_space<vmem>>
    %dma_wait3A_356 = arith.constant 0 : i32
    %dma_wait3A_357 = tpu.memref_slice %arg7[%dma_wait3A_351, %dma_wait3A_356] : memref<26x512xi32, #tpu.memory_space<vmem>> -> memref<1x512xi32, #tpu.memory_space<vmem>>
    %dma_wait3A_358 = tpu.memref_squeeze %dma_wait3A_357 : memref<1x512xi32, #tpu.memory_space<vmem>> -> memref<512xi32, #tpu.memory_space<vmem>>
    %dma_wait3A_359 = arith.constant 0 : i32
    %dma_wait3A_360 = tpu.memref_slice %arg12[%dma_wait3A_359] : memref<1000064xf32, #tpu.memory_space<vmem_shared>> -> memref<1000064xf32, #tpu.memory_space<vmem_shared>>
    tpu.wait_indirect_dma semaphore(%arg13 : memref<!tpu.dma_semaphore, #tpu.memory_space<semaphore_mem>>) src(%dma_wait3A_360 : memref<1000064xf32, #tpu.memory_space<vmem_shared>>) dst(%dma_wait3A_355 : memref<512xf32, #tpu.memory_space<vmem>>)
    %dma_wait3A_361 = arith.constant 9 : i32
    %dma_wait3A_362 = arith.constant 9 : i32
    %dma_wait3A_363 = arith.constant 0 : i32
    %dma_wait3A_364 = tpu.memref_slice %arg9[%dma_wait3A_362, %dma_wait3A_363] : memref<26x512xf32, #tpu.memory_space<vmem>> -> memref<1x512xf32, #tpu.memory_space<vmem>>
    %dma_wait3A_365 = tpu.memref_squeeze %dma_wait3A_364 : memref<1x512xf32, #tpu.memory_space<vmem>> -> memref<512xf32, #tpu.memory_space<vmem>>
    %dma_wait3A_366 = arith.constant 0 : i32
    %dma_wait3A_367 = tpu.memref_slice %arg7[%dma_wait3A_361, %dma_wait3A_366] : memref<26x512xi32, #tpu.memory_space<vmem>> -> memref<1x512xi32, #tpu.memory_space<vmem>>
    %dma_wait3A_368 = tpu.memref_squeeze %dma_wait3A_367 : memref<1x512xi32, #tpu.memory_space<vmem>> -> memref<512xi32, #tpu.memory_space<vmem>>
    %dma_wait3A_369 = arith.constant 0 : i32
    %dma_wait3A_370 = tpu.memref_slice %arg12[%dma_wait3A_369] : memref<1000064xf32, #tpu.memory_space<vmem_shared>> -> memref<1000064xf32, #tpu.memory_space<vmem_shared>>
    tpu.wait_indirect_dma semaphore(%arg13 : memref<!tpu.dma_semaphore, #tpu.memory_space<semaphore_mem>>) src(%dma_wait3A_370 : memref<1000064xf32, #tpu.memory_space<vmem_shared>>) dst(%dma_wait3A_365 : memref<512xf32, #tpu.memory_space<vmem>>)
    %dma_wait3A_371 = arith.constant 10 : i32
    %dma_wait3A_372 = arith.constant 10 : i32
    %dma_wait3A_373 = arith.constant 0 : i32
    %dma_wait3A_374 = tpu.memref_slice %arg9[%dma_wait3A_372, %dma_wait3A_373] : memref<26x512xf32, #tpu.memory_space<vmem>> -> memref<1x512xf32, #tpu.memory_space<vmem>>
    %dma_wait3A_375 = tpu.memref_squeeze %dma_wait3A_374 : memref<1x512xf32, #tpu.memory_space<vmem>> -> memref<512xf32, #tpu.memory_space<vmem>>
    %dma_wait3A_376 = arith.constant 0 : i32
    %dma_wait3A_377 = tpu.memref_slice %arg7[%dma_wait3A_371, %dma_wait3A_376] : memref<26x512xi32, #tpu.memory_space<vmem>> -> memref<1x512xi32, #tpu.memory_space<vmem>>
    %dma_wait3A_378 = tpu.memref_squeeze %dma_wait3A_377 : memref<1x512xi32, #tpu.memory_space<vmem>> -> memref<512xi32, #tpu.memory_space<vmem>>
    %dma_wait3A_379 = arith.constant 0 : i32
    %dma_wait3A_380 = tpu.memref_slice %arg12[%dma_wait3A_379] : memref<1000064xf32, #tpu.memory_space<vmem_shared>> -> memref<1000064xf32, #tpu.memory_space<vmem_shared>>
    tpu.wait_indirect_dma semaphore(%arg13 : memref<!tpu.dma_semaphore, #tpu.memory_space<semaphore_mem>>) src(%dma_wait3A_380 : memref<1000064xf32, #tpu.memory_space<vmem_shared>>) dst(%dma_wait3A_375 : memref<512xf32, #tpu.memory_space<vmem>>)
    %dma_wait3A_381 = arith.constant 11 : i32
    %dma_wait3A_382 = arith.constant 11 : i32
    %dma_wait3A_383 = arith.constant 0 : i32
    %dma_wait3A_384 = tpu.memref_slice %arg9[%dma_wait3A_382, %dma_wait3A_383] : memref<26x512xf32, #tpu.memory_space<vmem>> -> memref<1x512xf32, #tpu.memory_space<vmem>>
    %dma_wait3A_385 = tpu.memref_squeeze %dma_wait3A_384 : memref<1x512xf32, #tpu.memory_space<vmem>> -> memref<512xf32, #tpu.memory_space<vmem>>
    %dma_wait3A_386 = arith.constant 0 : i32
    %dma_wait3A_387 = tpu.memref_slice %arg7[%dma_wait3A_381, %dma_wait3A_386] : memref<26x512xi32, #tpu.memory_space<vmem>> -> memref<1x512xi32, #tpu.memory_space<vmem>>
    %dma_wait3A_388 = tpu.memref_squeeze %dma_wait3A_387 : memref<1x512xi32, #tpu.memory_space<vmem>> -> memref<512xi32, #tpu.memory_space<vmem>>
    %dma_wait3A_389 = arith.constant 0 : i32
    %dma_wait3A_390 = tpu.memref_slice %arg12[%dma_wait3A_389] : memref<1000064xf32, #tpu.memory_space<vmem_shared>> -> memref<1000064xf32, #tpu.memory_space<vmem_shared>>
    tpu.wait_indirect_dma semaphore(%arg13 : memref<!tpu.dma_semaphore, #tpu.memory_space<semaphore_mem>>) src(%dma_wait3A_390 : memref<1000064xf32, #tpu.memory_space<vmem_shared>>) dst(%dma_wait3A_385 : memref<512xf32, #tpu.memory_space<vmem>>)
    %dma_wait3A_391 = arith.constant 12 : i32
    %dma_wait3A_392 = arith.constant 12 : i32
    %dma_wait3A_393 = arith.constant 0 : i32
    %dma_wait3A_394 = tpu.memref_slice %arg9[%dma_wait3A_392, %dma_wait3A_393] : memref<26x512xf32, #tpu.memory_space<vmem>> -> memref<1x512xf32, #tpu.memory_space<vmem>>
    %dma_wait3A_395 = tpu.memref_squeeze %dma_wait3A_394 : memref<1x512xf32, #tpu.memory_space<vmem>> -> memref<512xf32, #tpu.memory_space<vmem>>
    %dma_wait3A_396 = arith.constant 0 : i32
    %dma_wait3A_397 = tpu.memref_slice %arg7[%dma_wait3A_391, %dma_wait3A_396] : memref<26x512xi32, #tpu.memory_space<vmem>> -> memref<1x512xi32, #tpu.memory_space<vmem>>
    %dma_wait3A_398 = tpu.memref_squeeze %dma_wait3A_397 : memref<1x512xi32, #tpu.memory_space<vmem>> -> memref<512xi32, #tpu.memory_space<vmem>>
    %dma_wait3A_399 = arith.constant 0 : i32
    %dma_wait3A_400 = tpu.memref_slice %arg12[%dma_wait3A_399] : memref<1000064xf32, #tpu.memory_space<vmem_shared>> -> memref<1000064xf32, #tpu.memory_space<vmem_shared>>
    tpu.wait_indirect_dma semaphore(%arg13 : memref<!tpu.dma_semaphore, #tpu.memory_space<semaphore_mem>>) src(%dma_wait3A_400 : memref<1000064xf32, #tpu.memory_space<vmem_shared>>) dst(%dma_wait3A_395 : memref<512xf32, #tpu.memory_space<vmem>>)
    %dma_wait3A_401 = arith.constant 13 : i32
    %dma_wait3A_402 = arith.constant 13 : i32
    %dma_wait3A_403 = arith.constant 0 : i32
    %dma_wait3A_404 = tpu.memref_slice %arg9[%dma_wait3A_402, %dma_wait3A_403] : memref<26x512xf32, #tpu.memory_space<vmem>> -> memref<1x512xf32, #tpu.memory_space<vmem>>
    %dma_wait3A_405 = tpu.memref_squeeze %dma_wait3A_404 : memref<1x512xf32, #tpu.memory_space<vmem>> -> memref<512xf32, #tpu.memory_space<vmem>>
    %dma_wait3A_406 = arith.constant 0 : i32
    %dma_wait3A_407 = tpu.memref_slice %arg7[%dma_wait3A_401, %dma_wait3A_406] : memref<26x512xi32, #tpu.memory_space<vmem>> -> memref<1x512xi32, #tpu.memory_space<vmem>>
    %dma_wait3A_408 = tpu.memref_squeeze %dma_wait3A_407 : memref<1x512xi32, #tpu.memory_space<vmem>> -> memref<512xi32, #tpu.memory_space<vmem>>
    %dma_wait3A_409 = arith.constant 0 : i32
    %dma_wait3A_410 = tpu.memref_slice %arg12[%dma_wait3A_409] : memref<1000064xf32, #tpu.memory_space<vmem_shared>> -> memref<1000064xf32, #tpu.memory_space<vmem_shared>>
    tpu.wait_indirect_dma semaphore(%arg13 : memref<!tpu.dma_semaphore, #tpu.memory_space<semaphore_mem>>) src(%dma_wait3A_410 : memref<1000064xf32, #tpu.memory_space<vmem_shared>>) dst(%dma_wait3A_405 : memref<512xf32, #tpu.memory_space<vmem>>)
    %dma_wait3A_411 = arith.constant 14 : i32
    %dma_wait3A_412 = arith.constant 14 : i32
    %dma_wait3A_413 = arith.constant 0 : i32
    %dma_wait3A_414 = tpu.memref_slice %arg9[%dma_wait3A_412, %dma_wait3A_413] : memref<26x512xf32, #tpu.memory_space<vmem>> -> memref<1x512xf32, #tpu.memory_space<vmem>>
    %dma_wait3A_415 = tpu.memref_squeeze %dma_wait3A_414 : memref<1x512xf32, #tpu.memory_space<vmem>> -> memref<512xf32, #tpu.memory_space<vmem>>
    %dma_wait3A_416 = arith.constant 0 : i32
    %dma_wait3A_417 = tpu.memref_slice %arg7[%dma_wait3A_411, %dma_wait3A_416] : memref<26x512xi32, #tpu.memory_space<vmem>> -> memref<1x512xi32, #tpu.memory_space<vmem>>
    %dma_wait3A_418 = tpu.memref_squeeze %dma_wait3A_417 : memref<1x512xi32, #tpu.memory_space<vmem>> -> memref<512xi32, #tpu.memory_space<vmem>>
    %dma_wait3A_419 = arith.constant 0 : i32
    %dma_wait3A_420 = tpu.memref_slice %arg12[%dma_wait3A_419] : memref<1000064xf32, #tpu.memory_space<vmem_shared>> -> memref<1000064xf32, #tpu.memory_space<vmem_shared>>
    tpu.wait_indirect_dma semaphore(%arg13 : memref<!tpu.dma_semaphore, #tpu.memory_space<semaphore_mem>>) src(%dma_wait3A_420 : memref<1000064xf32, #tpu.memory_space<vmem_shared>>) dst(%dma_wait3A_415 : memref<512xf32, #tpu.memory_space<vmem>>)
    %dma_wait3A_421 = arith.constant 15 : i32
    %dma_wait3A_422 = arith.constant 15 : i32
    %dma_wait3A_423 = arith.constant 0 : i32
    %dma_wait3A_424 = tpu.memref_slice %arg9[%dma_wait3A_422, %dma_wait3A_423] : memref<26x512xf32, #tpu.memory_space<vmem>> -> memref<1x512xf32, #tpu.memory_space<vmem>>
    %dma_wait3A_425 = tpu.memref_squeeze %dma_wait3A_424 : memref<1x512xf32, #tpu.memory_space<vmem>> -> memref<512xf32, #tpu.memory_space<vmem>>
    %dma_wait3A_426 = arith.constant 0 : i32
    %dma_wait3A_427 = tpu.memref_slice %arg7[%dma_wait3A_421, %dma_wait3A_426] : memref<26x512xi32, #tpu.memory_space<vmem>> -> memref<1x512xi32, #tpu.memory_space<vmem>>
    %dma_wait3A_428 = tpu.memref_squeeze %dma_wait3A_427 : memref<1x512xi32, #tpu.memory_space<vmem>> -> memref<512xi32, #tpu.memory_space<vmem>>
    %dma_wait3A_429 = arith.constant 0 : i32
    %dma_wait3A_430 = tpu.memref_slice %arg12[%dma_wait3A_429] : memref<1000064xf32, #tpu.memory_space<vmem_shared>> -> memref<1000064xf32, #tpu.memory_space<vmem_shared>>
    tpu.wait_indirect_dma semaphore(%arg13 : memref<!tpu.dma_semaphore, #tpu.memory_space<semaphore_mem>>) src(%dma_wait3A_430 : memref<1000064xf32, #tpu.memory_space<vmem_shared>>) dst(%dma_wait3A_425 : memref<512xf32, #tpu.memory_space<vmem>>)
    %dma_wait3A_431 = arith.constant 16 : i32
    %dma_wait3A_432 = arith.constant 16 : i32
    %dma_wait3A_433 = arith.constant 0 : i32
    %dma_wait3A_434 = tpu.memref_slice %arg9[%dma_wait3A_432, %dma_wait3A_433] : memref<26x512xf32, #tpu.memory_space<vmem>> -> memref<1x512xf32, #tpu.memory_space<vmem>>
    %dma_wait3A_435 = tpu.memref_squeeze %dma_wait3A_434 : memref<1x512xf32, #tpu.memory_space<vmem>> -> memref<512xf32, #tpu.memory_space<vmem>>
    %dma_wait3A_436 = arith.constant 0 : i32
    %dma_wait3A_437 = tpu.memref_slice %arg7[%dma_wait3A_431, %dma_wait3A_436] : memref<26x512xi32, #tpu.memory_space<vmem>> -> memref<1x512xi32, #tpu.memory_space<vmem>>
    %dma_wait3A_438 = tpu.memref_squeeze %dma_wait3A_437 : memref<1x512xi32, #tpu.memory_space<vmem>> -> memref<512xi32, #tpu.memory_space<vmem>>
    %dma_wait3A_439 = arith.constant 0 : i32
    %dma_wait3A_440 = tpu.memref_slice %arg12[%dma_wait3A_439] : memref<1000064xf32, #tpu.memory_space<vmem_shared>> -> memref<1000064xf32, #tpu.memory_space<vmem_shared>>
    tpu.wait_indirect_dma semaphore(%arg13 : memref<!tpu.dma_semaphore, #tpu.memory_space<semaphore_mem>>) src(%dma_wait3A_440 : memref<1000064xf32, #tpu.memory_space<vmem_shared>>) dst(%dma_wait3A_435 : memref<512xf32, #tpu.memory_space<vmem>>)
    %dma_wait3A_441 = arith.constant 17 : i32
    %dma_wait3A_442 = arith.constant 17 : i32
    %dma_wait3A_443 = arith.constant 0 : i32
    %dma_wait3A_444 = tpu.memref_slice %arg9[%dma_wait3A_442, %dma_wait3A_443] : memref<26x512xf32, #tpu.memory_space<vmem>> -> memref<1x512xf32, #tpu.memory_space<vmem>>
    %dma_wait3A_445 = tpu.memref_squeeze %dma_wait3A_444 : memref<1x512xf32, #tpu.memory_space<vmem>> -> memref<512xf32, #tpu.memory_space<vmem>>
    %dma_wait3A_446 = arith.constant 0 : i32
    %dma_wait3A_447 = tpu.memref_slice %arg7[%dma_wait3A_441, %dma_wait3A_446] : memref<26x512xi32, #tpu.memory_space<vmem>> -> memref<1x512xi32, #tpu.memory_space<vmem>>
    %dma_wait3A_448 = tpu.memref_squeeze %dma_wait3A_447 : memref<1x512xi32, #tpu.memory_space<vmem>> -> memref<512xi32, #tpu.memory_space<vmem>>
    %dma_wait3A_449 = arith.constant 0 : i32
    %dma_wait3A_450 = tpu.memref_slice %arg12[%dma_wait3A_449] : memref<1000064xf32, #tpu.memory_space<vmem_shared>> -> memref<1000064xf32, #tpu.memory_space<vmem_shared>>
    tpu.wait_indirect_dma semaphore(%arg13 : memref<!tpu.dma_semaphore, #tpu.memory_space<semaphore_mem>>) src(%dma_wait3A_450 : memref<1000064xf32, #tpu.memory_space<vmem_shared>>) dst(%dma_wait3A_445 : memref<512xf32, #tpu.memory_space<vmem>>)
    %dma_wait3A_451 = arith.constant 18 : i32
    %dma_wait3A_452 = arith.constant 18 : i32
    %dma_wait3A_453 = arith.constant 0 : i32
    %dma_wait3A_454 = tpu.memref_slice %arg9[%dma_wait3A_452, %dma_wait3A_453] : memref<26x512xf32, #tpu.memory_space<vmem>> -> memref<1x512xf32, #tpu.memory_space<vmem>>
    %dma_wait3A_455 = tpu.memref_squeeze %dma_wait3A_454 : memref<1x512xf32, #tpu.memory_space<vmem>> -> memref<512xf32, #tpu.memory_space<vmem>>
    %dma_wait3A_456 = arith.constant 0 : i32
    %dma_wait3A_457 = tpu.memref_slice %arg7[%dma_wait3A_451, %dma_wait3A_456] : memref<26x512xi32, #tpu.memory_space<vmem>> -> memref<1x512xi32, #tpu.memory_space<vmem>>
    %dma_wait3A_458 = tpu.memref_squeeze %dma_wait3A_457 : memref<1x512xi32, #tpu.memory_space<vmem>> -> memref<512xi32, #tpu.memory_space<vmem>>
    %dma_wait3A_459 = arith.constant 0 : i32
    %dma_wait3A_460 = tpu.memref_slice %arg12[%dma_wait3A_459] : memref<1000064xf32, #tpu.memory_space<vmem_shared>> -> memref<1000064xf32, #tpu.memory_space<vmem_shared>>
    tpu.wait_indirect_dma semaphore(%arg13 : memref<!tpu.dma_semaphore, #tpu.memory_space<semaphore_mem>>) src(%dma_wait3A_460 : memref<1000064xf32, #tpu.memory_space<vmem_shared>>) dst(%dma_wait3A_455 : memref<512xf32, #tpu.memory_space<vmem>>)
    %dma_wait3A_461 = arith.constant 19 : i32
    %dma_wait3A_462 = arith.constant 19 : i32
    %dma_wait3A_463 = arith.constant 0 : i32
    %dma_wait3A_464 = tpu.memref_slice %arg9[%dma_wait3A_462, %dma_wait3A_463] : memref<26x512xf32, #tpu.memory_space<vmem>> -> memref<1x512xf32, #tpu.memory_space<vmem>>
    %dma_wait3A_465 = tpu.memref_squeeze %dma_wait3A_464 : memref<1x512xf32, #tpu.memory_space<vmem>> -> memref<512xf32, #tpu.memory_space<vmem>>
    %dma_wait3A_466 = arith.constant 0 : i32
    %dma_wait3A_467 = tpu.memref_slice %arg7[%dma_wait3A_461, %dma_wait3A_466] : memref<26x512xi32, #tpu.memory_space<vmem>> -> memref<1x512xi32, #tpu.memory_space<vmem>>
    %dma_wait3A_468 = tpu.memref_squeeze %dma_wait3A_467 : memref<1x512xi32, #tpu.memory_space<vmem>> -> memref<512xi32, #tpu.memory_space<vmem>>
    %dma_wait3A_469 = arith.constant 0 : i32
    %dma_wait3A_470 = tpu.memref_slice %arg12[%dma_wait3A_469] : memref<1000064xf32, #tpu.memory_space<vmem_shared>> -> memref<1000064xf32, #tpu.memory_space<vmem_shared>>
    tpu.wait_indirect_dma semaphore(%arg13 : memref<!tpu.dma_semaphore, #tpu.memory_space<semaphore_mem>>) src(%dma_wait3A_470 : memref<1000064xf32, #tpu.memory_space<vmem_shared>>) dst(%dma_wait3A_465 : memref<512xf32, #tpu.memory_space<vmem>>)
    %dma_wait3A_471 = arith.constant 20 : i32
    %dma_wait3A_472 = arith.constant 20 : i32
    %dma_wait3A_473 = arith.constant 0 : i32
    %dma_wait3A_474 = tpu.memref_slice %arg9[%dma_wait3A_472, %dma_wait3A_473] : memref<26x512xf32, #tpu.memory_space<vmem>> -> memref<1x512xf32, #tpu.memory_space<vmem>>
    %dma_wait3A_475 = tpu.memref_squeeze %dma_wait3A_474 : memref<1x512xf32, #tpu.memory_space<vmem>> -> memref<512xf32, #tpu.memory_space<vmem>>
    %dma_wait3A_476 = arith.constant 0 : i32
    %dma_wait3A_477 = tpu.memref_slice %arg7[%dma_wait3A_471, %dma_wait3A_476] : memref<26x512xi32, #tpu.memory_space<vmem>> -> memref<1x512xi32, #tpu.memory_space<vmem>>
    %dma_wait3A_478 = tpu.memref_squeeze %dma_wait3A_477 : memref<1x512xi32, #tpu.memory_space<vmem>> -> memref<512xi32, #tpu.memory_space<vmem>>
    %dma_wait3A_479 = arith.constant 0 : i32
    %dma_wait3A_480 = tpu.memref_slice %arg12[%dma_wait3A_479] : memref<1000064xf32, #tpu.memory_space<vmem_shared>> -> memref<1000064xf32, #tpu.memory_space<vmem_shared>>
    tpu.wait_indirect_dma semaphore(%arg13 : memref<!tpu.dma_semaphore, #tpu.memory_space<semaphore_mem>>) src(%dma_wait3A_480 : memref<1000064xf32, #tpu.memory_space<vmem_shared>>) dst(%dma_wait3A_475 : memref<512xf32, #tpu.memory_space<vmem>>)
    %dma_wait3A_481 = arith.constant 21 : i32
    %dma_wait3A_482 = arith.constant 21 : i32
    %dma_wait3A_483 = arith.constant 0 : i32
    %dma_wait3A_484 = tpu.memref_slice %arg9[%dma_wait3A_482, %dma_wait3A_483] : memref<26x512xf32, #tpu.memory_space<vmem>> -> memref<1x512xf32, #tpu.memory_space<vmem>>
    %dma_wait3A_485 = tpu.memref_squeeze %dma_wait3A_484 : memref<1x512xf32, #tpu.memory_space<vmem>> -> memref<512xf32, #tpu.memory_space<vmem>>
    %dma_wait3A_486 = arith.constant 0 : i32
    %dma_wait3A_487 = tpu.memref_slice %arg7[%dma_wait3A_481, %dma_wait3A_486] : memref<26x512xi32, #tpu.memory_space<vmem>> -> memref<1x512xi32, #tpu.memory_space<vmem>>
    %dma_wait3A_488 = tpu.memref_squeeze %dma_wait3A_487 : memref<1x512xi32, #tpu.memory_space<vmem>> -> memref<512xi32, #tpu.memory_space<vmem>>
    %dma_wait3A_489 = arith.constant 0 : i32
    %dma_wait3A_490 = tpu.memref_slice %arg12[%dma_wait3A_489] : memref<1000064xf32, #tpu.memory_space<vmem_shared>> -> memref<1000064xf32, #tpu.memory_space<vmem_shared>>
    tpu.wait_indirect_dma semaphore(%arg13 : memref<!tpu.dma_semaphore, #tpu.memory_space<semaphore_mem>>) src(%dma_wait3A_490 : memref<1000064xf32, #tpu.memory_space<vmem_shared>>) dst(%dma_wait3A_485 : memref<512xf32, #tpu.memory_space<vmem>>)
    %dma_wait3A_491 = arith.constant 22 : i32
    %dma_wait3A_492 = arith.constant 22 : i32
    %dma_wait3A_493 = arith.constant 0 : i32
    %dma_wait3A_494 = tpu.memref_slice %arg9[%dma_wait3A_492, %dma_wait3A_493] : memref<26x512xf32, #tpu.memory_space<vmem>> -> memref<1x512xf32, #tpu.memory_space<vmem>>
    %dma_wait3A_495 = tpu.memref_squeeze %dma_wait3A_494 : memref<1x512xf32, #tpu.memory_space<vmem>> -> memref<512xf32, #tpu.memory_space<vmem>>
    %dma_wait3A_496 = arith.constant 0 : i32
    %dma_wait3A_497 = tpu.memref_slice %arg7[%dma_wait3A_491, %dma_wait3A_496] : memref<26x512xi32, #tpu.memory_space<vmem>> -> memref<1x512xi32, #tpu.memory_space<vmem>>
    %dma_wait3A_498 = tpu.memref_squeeze %dma_wait3A_497 : memref<1x512xi32, #tpu.memory_space<vmem>> -> memref<512xi32, #tpu.memory_space<vmem>>
    %dma_wait3A_499 = arith.constant 0 : i32
    %dma_wait3A_500 = tpu.memref_slice %arg12[%dma_wait3A_499] : memref<1000064xf32, #tpu.memory_space<vmem_shared>> -> memref<1000064xf32, #tpu.memory_space<vmem_shared>>
    tpu.wait_indirect_dma semaphore(%arg13 : memref<!tpu.dma_semaphore, #tpu.memory_space<semaphore_mem>>) src(%dma_wait3A_500 : memref<1000064xf32, #tpu.memory_space<vmem_shared>>) dst(%dma_wait3A_495 : memref<512xf32, #tpu.memory_space<vmem>>)
    %dma_wait3A_501 = arith.constant 23 : i32
    %dma_wait3A_502 = arith.constant 23 : i32
    %dma_wait3A_503 = arith.constant 0 : i32
    %dma_wait3A_504 = tpu.memref_slice %arg9[%dma_wait3A_502, %dma_wait3A_503] : memref<26x512xf32, #tpu.memory_space<vmem>> -> memref<1x512xf32, #tpu.memory_space<vmem>>
    %dma_wait3A_505 = tpu.memref_squeeze %dma_wait3A_504 : memref<1x512xf32, #tpu.memory_space<vmem>> -> memref<512xf32, #tpu.memory_space<vmem>>
    %dma_wait3A_506 = arith.constant 0 : i32
    %dma_wait3A_507 = tpu.memref_slice %arg7[%dma_wait3A_501, %dma_wait3A_506] : memref<26x512xi32, #tpu.memory_space<vmem>> -> memref<1x512xi32, #tpu.memory_space<vmem>>
    %dma_wait3A_508 = tpu.memref_squeeze %dma_wait3A_507 : memref<1x512xi32, #tpu.memory_space<vmem>> -> memref<512xi32, #tpu.memory_space<vmem>>
    %dma_wait3A_509 = arith.constant 0 : i32
    %dma_wait3A_510 = tpu.memref_slice %arg12[%dma_wait3A_509] : memref<1000064xf32, #tpu.memory_space<vmem_shared>> -> memref<1000064xf32, #tpu.memory_space<vmem_shared>>
    tpu.wait_indirect_dma semaphore(%arg13 : memref<!tpu.dma_semaphore, #tpu.memory_space<semaphore_mem>>) src(%dma_wait3A_510 : memref<1000064xf32, #tpu.memory_space<vmem_shared>>) dst(%dma_wait3A_505 : memref<512xf32, #tpu.memory_space<vmem>>)
    %dma_wait3A_511 = arith.constant 24 : i32
    %dma_wait3A_512 = arith.constant 24 : i32
    %dma_wait3A_513 = arith.constant 0 : i32
    %dma_wait3A_514 = tpu.memref_slice %arg9[%dma_wait3A_512, %dma_wait3A_513] : memref<26x512xf32, #tpu.memory_space<vmem>> -> memref<1x512xf32, #tpu.memory_space<vmem>>
    %dma_wait3A_515 = tpu.memref_squeeze %dma_wait3A_514 : memref<1x512xf32, #tpu.memory_space<vmem>> -> memref<512xf32, #tpu.memory_space<vmem>>
    %dma_wait3A_516 = arith.constant 0 : i32
    %dma_wait3A_517 = tpu.memref_slice %arg7[%dma_wait3A_511, %dma_wait3A_516] : memref<26x512xi32, #tpu.memory_space<vmem>> -> memref<1x512xi32, #tpu.memory_space<vmem>>
    %dma_wait3A_518 = tpu.memref_squeeze %dma_wait3A_517 : memref<1x512xi32, #tpu.memory_space<vmem>> -> memref<512xi32, #tpu.memory_space<vmem>>
    %dma_wait3A_519 = arith.constant 0 : i32
    %dma_wait3A_520 = tpu.memref_slice %arg12[%dma_wait3A_519] : memref<1000064xf32, #tpu.memory_space<vmem_shared>> -> memref<1000064xf32, #tpu.memory_space<vmem_shared>>
    tpu.wait_indirect_dma semaphore(%arg13 : memref<!tpu.dma_semaphore, #tpu.memory_space<semaphore_mem>>) src(%dma_wait3A_520 : memref<1000064xf32, #tpu.memory_space<vmem_shared>>) dst(%dma_wait3A_515 : memref<512xf32, #tpu.memory_space<vmem>>)
    %dma_wait3A_521 = arith.constant 25 : i32
    %dma_wait3A_522 = arith.constant 25 : i32
    %dma_wait3A_523 = arith.constant 0 : i32
    %dma_wait3A_524 = tpu.memref_slice %arg9[%dma_wait3A_522, %dma_wait3A_523] : memref<26x512xf32, #tpu.memory_space<vmem>> -> memref<1x512xf32, #tpu.memory_space<vmem>>
    %dma_wait3A_525 = tpu.memref_squeeze %dma_wait3A_524 : memref<1x512xf32, #tpu.memory_space<vmem>> -> memref<512xf32, #tpu.memory_space<vmem>>
    %dma_wait3A_526 = arith.constant 0 : i32
    %dma_wait3A_527 = tpu.memref_slice %arg7[%dma_wait3A_521, %dma_wait3A_526] : memref<26x512xi32, #tpu.memory_space<vmem>> -> memref<1x512xi32, #tpu.memory_space<vmem>>
    %dma_wait3A_528 = tpu.memref_squeeze %dma_wait3A_527 : memref<1x512xi32, #tpu.memory_space<vmem>> -> memref<512xi32, #tpu.memory_space<vmem>>
    %dma_wait3A_529 = arith.constant 0 : i32
    %dma_wait3A_530 = tpu.memref_slice %arg12[%dma_wait3A_529] : memref<1000064xf32, #tpu.memory_space<vmem_shared>> -> memref<1000064xf32, #tpu.memory_space<vmem_shared>>
    tpu.wait_indirect_dma semaphore(%arg13 : memref<!tpu.dma_semaphore, #tpu.memory_space<semaphore_mem>>) src(%dma_wait3A_530 : memref<1000064xf32, #tpu.memory_space<vmem_shared>>) dst(%dma_wait3A_525 : memref<512xf32, #tpu.memory_space<vmem>>)
    %scan3A = arith.constant 0 : i32
    %scan3A_531 = arith.constant 0.0384615399 : f32
    %scan3A_532 = arith.constant 0 : i32
    %scan3A_533 = arith.constant 32 : i32
    %scan3A_534 = arith.addi %scan3A_532, %scan3A_533 : i32
    %scan3A_535 = arith.constant 1 : i32
    scf.for %scan3A_539 = %scan3A_532 to %scan3A_534 step %scan3A_535  : i32 {
      %mul3A_540 = arith.constant 16 : i32
      %mul3A_541 = arith.muli %scan3A_539, %mul3A_540 : i32
      %get3A_542 = arith.constant 0 : i32
      %get3A_543 = arith.index_cast %get3A_542 : i32 to index
      %get3A_544 = arith.index_cast %mul3A_541 : i32 to index
      %get3A_545 = tpu.vector_load %arg8[%get3A_543, %get3A_544] {strides = array<i32>} : memref<26x512xf32, #tpu.memory_space<vmem>>, vector<1x16xf32>,
      %get3A_546 = vector.shape_cast %get3A_545 : vector<1x16xf32> to vector<16xf32>
      %get3A_547 = arith.constant 0 : i32
      %get3A_548 = arith.index_cast %get3A_547 : i32 to index
      %get3A_549 = arith.index_cast %mul3A_541 : i32 to index
      %get3A_550 = tpu.vector_load %arg9[%get3A_548, %get3A_549] {strides = array<i32>} : memref<26x512xf32, #tpu.memory_space<vmem>>, vector<1x16xf32>,
      %get3A_551 = vector.shape_cast %get3A_550 : vector<1x16xf32> to vector<16xf32>
      %mul3A_552 = arith.mulf %get3A_546, %get3A_551 : vector<16xf32>
      %get3A_553 = arith.constant 1 : i32
      %get3A_554 = arith.index_cast %get3A_553 : i32 to index
      %get3A_555 = arith.index_cast %mul3A_541 : i32 to index
      %get3A_556 = tpu.vector_load %arg8[%get3A_554, %get3A_555] {strides = array<i32>} : memref<26x512xf32, #tpu.memory_space<vmem>>, vector<1x16xf32>,
      %get3A_557 = vector.shape_cast %get3A_556 : vector<1x16xf32> to vector<16xf32>
      %get3A_558 = arith.constant 1 : i32
      %get3A_559 = arith.index_cast %get3A_558 : i32 to index
      %get3A_560 = arith.index_cast %mul3A_541 : i32 to index
      %get3A_561 = tpu.vector_load %arg9[%get3A_559, %get3A_560] {strides = array<i32>} : memref<26x512xf32, #tpu.memory_space<vmem>>, vector<1x16xf32>,
      %get3A_562 = vector.shape_cast %get3A_561 : vector<1x16xf32> to vector<16xf32>
      %mul3A_563 = arith.mulf %get3A_557, %get3A_562 : vector<16xf32>
      %add3A_564 = arith.addf %mul3A_552, %mul3A_563 : vector<16xf32>
      %get3A_565 = arith.constant 2 : i32
      %get3A_566 = arith.index_cast %get3A_565 : i32 to index
      %get3A_567 = arith.index_cast %mul3A_541 : i32 to index
      %get3A_568 = tpu.vector_load %arg8[%get3A_566, %get3A_567] {strides = array<i32>} : memref<26x512xf32, #tpu.memory_space<vmem>>, vector<1x16xf32>,
      %get3A_569 = vector.shape_cast %get3A_568 : vector<1x16xf32> to vector<16xf32>
      %get3A_570 = arith.constant 2 : i32
      %get3A_571 = arith.index_cast %get3A_570 : i32 to index
      %get3A_572 = arith.index_cast %mul3A_541 : i32 to index
      %get3A_573 = tpu.vector_load %arg9[%get3A_571, %get3A_572] {strides = array<i32>} : memref<26x512xf32, #tpu.memory_space<vmem>>, vector<1x16xf32>,
      %get3A_574 = vector.shape_cast %get3A_573 : vector<1x16xf32> to vector<16xf32>
      %mul3A_575 = arith.mulf %get3A_569, %get3A_574 : vector<16xf32>
      %add3A_576 = arith.addf %add3A_564, %mul3A_575 : vector<16xf32>
      %get3A_577 = arith.constant 3 : i32
      %get3A_578 = arith.index_cast %get3A_577 : i32 to index
      %get3A_579 = arith.index_cast %mul3A_541 : i32 to index
      %get3A_580 = tpu.vector_load %arg8[%get3A_578, %get3A_579] {strides = array<i32>} : memref<26x512xf32, #tpu.memory_space<vmem>>, vector<1x16xf32>,
      %get3A_581 = vector.shape_cast %get3A_580 : vector<1x16xf32> to vector<16xf32>
      %get3A_582 = arith.constant 3 : i32
      %get3A_583 = arith.index_cast %get3A_582 : i32 to index
      %get3A_584 = arith.index_cast %mul3A_541 : i32 to index
      %get3A_585 = tpu.vector_load %arg9[%get3A_583, %get3A_584] {strides = array<i32>} : memref<26x512xf32, #tpu.memory_space<vmem>>, vector<1x16xf32>,
      %get3A_586 = vector.shape_cast %get3A_585 : vector<1x16xf32> to vector<16xf32>
      %mul3A_587 = arith.mulf %get3A_581, %get3A_586 : vector<16xf32>
      %add3A_588 = arith.addf %add3A_576, %mul3A_587 : vector<16xf32>
      %get3A_589 = arith.constant 4 : i32
      %get3A_590 = arith.index_cast %get3A_589 : i32 to index
      %get3A_591 = arith.index_cast %mul3A_541 : i32 to index
      %get3A_592 = tpu.vector_load %arg8[%get3A_590, %get3A_591] {strides = array<i32>} : memref<26x512xf32, #tpu.memory_space<vmem>>, vector<1x16xf32>,
      %get3A_593 = vector.shape_cast %get3A_592 : vector<1x16xf32> to vector<16xf32>
      %get3A_594 = arith.constant 4 : i32
      %get3A_595 = arith.index_cast %get3A_594 : i32 to index
      %get3A_596 = arith.index_cast %mul3A_541 : i32 to index
      %get3A_597 = tpu.vector_load %arg9[%get3A_595, %get3A_596] {strides = array<i32>} : memref<26x512xf32, #tpu.memory_space<vmem>>, vector<1x16xf32>,
      %get3A_598 = vector.shape_cast %get3A_597 : vector<1x16xf32> to vector<16xf32>
      %mul3A_599 = arith.mulf %get3A_593, %get3A_598 : vector<16xf32>
      %add3A_600 = arith.addf %add3A_588, %mul3A_599 : vector<16xf32>
      %get3A_601 = arith.constant 5 : i32
      %get3A_602 = arith.index_cast %get3A_601 : i32 to index
      %get3A_603 = arith.index_cast %mul3A_541 : i32 to index
      %get3A_604 = tpu.vector_load %arg8[%get3A_602, %get3A_603] {strides = array<i32>} : memref<26x512xf32, #tpu.memory_space<vmem>>, vector<1x16xf32>,
      %get3A_605 = vector.shape_cast %get3A_604 : vector<1x16xf32> to vector<16xf32>
      %get3A_606 = arith.constant 5 : i32
      %get3A_607 = arith.index_cast %get3A_606 : i32 to index
      %get3A_608 = arith.index_cast %mul3A_541 : i32 to index
      %get3A_609 = tpu.vector_load %arg9[%get3A_607, %get3A_608] {strides = array<i32>} : memref<26x512xf32, #tpu.memory_space<vmem>>, vector<1x16xf32>,
      %get3A_610 = vector.shape_cast %get3A_609 : vector<1x16xf32> to vector<16xf32>
      %mul3A_611 = arith.mulf %get3A_605, %get3A_610 : vector<16xf32>
      %add3A_612 = arith.addf %add3A_600, %mul3A_611 : vector<16xf32>
      %get3A_613 = arith.constant 6 : i32
      %get3A_614 = arith.index_cast %get3A_613 : i32 to index
      %get3A_615 = arith.index_cast %mul3A_541 : i32 to index
      %get3A_616 = tpu.vector_load %arg8[%get3A_614, %get3A_615] {strides = array<i32>} : memref<26x512xf32, #tpu.memory_space<vmem>>, vector<1x16xf32>,
      %get3A_617 = vector.shape_cast %get3A_616 : vector<1x16xf32> to vector<16xf32>
      %get3A_618 = arith.constant 6 : i32
      %get3A_619 = arith.index_cast %get3A_618 : i32 to index
      %get3A_620 = arith.index_cast %mul3A_541 : i32 to index
      %get3A_621 = tpu.vector_load %arg9[%get3A_619, %get3A_620] {strides = array<i32>} : memref<26x512xf32, #tpu.memory_space<vmem>>, vector<1x16xf32>,
      %get3A_622 = vector.shape_cast %get3A_621 : vector<1x16xf32> to vector<16xf32>
      %mul3A_623 = arith.mulf %get3A_617, %get3A_622 : vector<16xf32>
      %add3A_624 = arith.addf %add3A_612, %mul3A_623 : vector<16xf32>
      %get3A_625 = arith.constant 7 : i32
      %get3A_626 = arith.index_cast %get3A_625 : i32 to index
      %get3A_627 = arith.index_cast %mul3A_541 : i32 to index
      %get3A_628 = tpu.vector_load %arg8[%get3A_626, %get3A_627] {strides = array<i32>} : memref<26x512xf32, #tpu.memory_space<vmem>>, vector<1x16xf32>,
      %get3A_629 = vector.shape_cast %get3A_628 : vector<1x16xf32> to vector<16xf32>
      %get3A_630 = arith.constant 7 : i32
      %get3A_631 = arith.index_cast %get3A_630 : i32 to index
      %get3A_632 = arith.index_cast %mul3A_541 : i32 to index
      %get3A_633 = tpu.vector_load %arg9[%get3A_631, %get3A_632] {strides = array<i32>} : memref<26x512xf32, #tpu.memory_space<vmem>>, vector<1x16xf32>,
      %get3A_634 = vector.shape_cast %get3A_633 : vector<1x16xf32> to vector<16xf32>
      %mul3A_635 = arith.mulf %get3A_629, %get3A_634 : vector<16xf32>
      %add3A_636 = arith.addf %add3A_624, %mul3A_635 : vector<16xf32>
      %get3A_637 = arith.constant 8 : i32
      %get3A_638 = arith.index_cast %get3A_637 : i32 to index
      %get3A_639 = arith.index_cast %mul3A_541 : i32 to index
      %get3A_640 = tpu.vector_load %arg8[%get3A_638, %get3A_639] {strides = array<i32>} : memref<26x512xf32, #tpu.memory_space<vmem>>, vector<1x16xf32>,
      %get3A_641 = vector.shape_cast %get3A_640 : vector<1x16xf32> to vector<16xf32>
      %get3A_642 = arith.constant 8 : i32
      %get3A_643 = arith.index_cast %get3A_642 : i32 to index
      %get3A_644 = arith.index_cast %mul3A_541 : i32 to index
      %get3A_645 = tpu.vector_load %arg9[%get3A_643, %get3A_644] {strides = array<i32>} : memref<26x512xf32, #tpu.memory_space<vmem>>, vector<1x16xf32>,
      %get3A_646 = vector.shape_cast %get3A_645 : vector<1x16xf32> to vector<16xf32>
      %mul3A_647 = arith.mulf %get3A_641, %get3A_646 : vector<16xf32>
      %add3A_648 = arith.addf %add3A_636, %mul3A_647 : vector<16xf32>
      %get3A_649 = arith.constant 9 : i32
      %get3A_650 = arith.index_cast %get3A_649 : i32 to index
      %get3A_651 = arith.index_cast %mul3A_541 : i32 to index
      %get3A_652 = tpu.vector_load %arg8[%get3A_650, %get3A_651] {strides = array<i32>} : memref<26x512xf32, #tpu.memory_space<vmem>>, vector<1x16xf32>,
      %get3A_653 = vector.shape_cast %get3A_652 : vector<1x16xf32> to vector<16xf32>
      %get3A_654 = arith.constant 9 : i32
      %get3A_655 = arith.index_cast %get3A_654 : i32 to index
      %get3A_656 = arith.index_cast %mul3A_541 : i32 to index
      %get3A_657 = tpu.vector_load %arg9[%get3A_655, %get3A_656] {strides = array<i32>} : memref<26x512xf32, #tpu.memory_space<vmem>>, vector<1x16xf32>,
      %get3A_658 = vector.shape_cast %get3A_657 : vector<1x16xf32> to vector<16xf32>
      %mul3A_659 = arith.mulf %get3A_653, %get3A_658 : vector<16xf32>
      %add3A_660 = arith.addf %add3A_648, %mul3A_659 : vector<16xf32>
      %get3A_661 = arith.constant 10 : i32
      %get3A_662 = arith.index_cast %get3A_661 : i32 to index
      %get3A_663 = arith.index_cast %mul3A_541 : i32 to index
      %get3A_664 = tpu.vector_load %arg8[%get3A_662, %get3A_663] {strides = array<i32>} : memref<26x512xf32, #tpu.memory_space<vmem>>, vector<1x16xf32>,
      %get3A_665 = vector.shape_cast %get3A_664 : vector<1x16xf32> to vector<16xf32>
      %get3A_666 = arith.constant 10 : i32
      %get3A_667 = arith.index_cast %get3A_666 : i32 to index
      %get3A_668 = arith.index_cast %mul3A_541 : i32 to index
      %get3A_669 = tpu.vector_load %arg9[%get3A_667, %get3A_668] {strides = array<i32>} : memref<26x512xf32, #tpu.memory_space<vmem>>, vector<1x16xf32>,
      %get3A_670 = vector.shape_cast %get3A_669 : vector<1x16xf32> to vector<16xf32>
      %mul3A_671 = arith.mulf %get3A_665, %get3A_670 : vector<16xf32>
      %add3A_672 = arith.addf %add3A_660, %mul3A_671 : vector<16xf32>
      %get3A_673 = arith.constant 11 : i32
      %get3A_674 = arith.index_cast %get3A_673 : i32 to index
      %get3A_675 = arith.index_cast %mul3A_541 : i32 to index
      %get3A_676 = tpu.vector_load %arg8[%get3A_674, %get3A_675] {strides = array<i32>} : memref<26x512xf32, #tpu.memory_space<vmem>>, vector<1x16xf32>,
      %get3A_677 = vector.shape_cast %get3A_676 : vector<1x16xf32> to vector<16xf32>
      %get3A_678 = arith.constant 11 : i32
      %get3A_679 = arith.index_cast %get3A_678 : i32 to index
      %get3A_680 = arith.index_cast %mul3A_541 : i32 to index
      %get3A_681 = tpu.vector_load %arg9[%get3A_679, %get3A_680] {strides = array<i32>} : memref<26x512xf32, #tpu.memory_space<vmem>>, vector<1x16xf32>,
      %get3A_682 = vector.shape_cast %get3A_681 : vector<1x16xf32> to vector<16xf32>
      %mul3A_683 = arith.mulf %get3A_677, %get3A_682 : vector<16xf32>
      %add3A_684 = arith.addf %add3A_672, %mul3A_683 : vector<16xf32>
      %get3A_685 = arith.constant 12 : i32
      %get3A_686 = arith.index_cast %get3A_685 : i32 to index
      %get3A_687 = arith.index_cast %mul3A_541 : i32 to index
      %get3A_688 = tpu.vector_load %arg8[%get3A_686, %get3A_687] {strides = array<i32>} : memref<26x512xf32, #tpu.memory_space<vmem>>, vector<1x16xf32>,
      %get3A_689 = vector.shape_cast %get3A_688 : vector<1x16xf32> to vector<16xf32>
      %get3A_690 = arith.constant 12 : i32
      %get3A_691 = arith.index_cast %get3A_690 : i32 to index
      %get3A_692 = arith.index_cast %mul3A_541 : i32 to index
      %get3A_693 = tpu.vector_load %arg9[%get3A_691, %get3A_692] {strides = array<i32>} : memref<26x512xf32, #tpu.memory_space<vmem>>, vector<1x16xf32>,
      %get3A_694 = vector.shape_cast %get3A_693 : vector<1x16xf32> to vector<16xf32>
      %mul3A_695 = arith.mulf %get3A_689, %get3A_694 : vector<16xf32>
      %add3A_696 = arith.addf %add3A_684, %mul3A_695 : vector<16xf32>
      %get3A_697 = arith.constant 13 : i32
      %get3A_698 = arith.index_cast %get3A_697 : i32 to index
      %get3A_699 = arith.index_cast %mul3A_541 : i32 to index
      %get3A_700 = tpu.vector_load %arg8[%get3A_698, %get3A_699] {strides = array<i32>} : memref<26x512xf32, #tpu.memory_space<vmem>>, vector<1x16xf32>,
      %get3A_701 = vector.shape_cast %get3A_700 : vector<1x16xf32> to vector<16xf32>
      %get3A_702 = arith.constant 13 : i32
      %get3A_703 = arith.index_cast %get3A_702 : i32 to index
      %get3A_704 = arith.index_cast %mul3A_541 : i32 to index
      %get3A_705 = tpu.vector_load %arg9[%get3A_703, %get3A_704] {strides = array<i32>} : memref<26x512xf32, #tpu.memory_space<vmem>>, vector<1x16xf32>,
      %get3A_706 = vector.shape_cast %get3A_705 : vector<1x16xf32> to vector<16xf32>
      %mul3A_707 = arith.mulf %get3A_701, %get3A_706 : vector<16xf32>
      %add3A_708 = arith.addf %add3A_696, %mul3A_707 : vector<16xf32>
      %get3A_709 = arith.constant 14 : i32
      %get3A_710 = arith.index_cast %get3A_709 : i32 to index
      %get3A_711 = arith.index_cast %mul3A_541 : i32 to index
      %get3A_712 = tpu.vector_load %arg8[%get3A_710, %get3A_711] {strides = array<i32>} : memref<26x512xf32, #tpu.memory_space<vmem>>, vector<1x16xf32>,
      %get3A_713 = vector.shape_cast %get3A_712 : vector<1x16xf32> to vector<16xf32>
      %get3A_714 = arith.constant 14 : i32
      %get3A_715 = arith.index_cast %get3A_714 : i32 to index
      %get3A_716 = arith.index_cast %mul3A_541 : i32 to index
      %get3A_717 = tpu.vector_load %arg9[%get3A_715, %get3A_716] {strides = array<i32>} : memref<26x512xf32, #tpu.memory_space<vmem>>, vector<1x16xf32>,
      %get3A_718 = vector.shape_cast %get3A_717 : vector<1x16xf32> to vector<16xf32>
      %mul3A_719 = arith.mulf %get3A_713, %get3A_718 : vector<16xf32>
      %add3A_720 = arith.addf %add3A_708, %mul3A_719 : vector<16xf32>
      %get3A_721 = arith.constant 15 : i32
      %get3A_722 = arith.index_cast %get3A_721 : i32 to index
      %get3A_723 = arith.index_cast %mul3A_541 : i32 to index
      %get3A_724 = tpu.vector_load %arg8[%get3A_722, %get3A_723] {strides = array<i32>} : memref<26x512xf32, #tpu.memory_space<vmem>>, vector<1x16xf32>,
      %get3A_725 = vector.shape_cast %get3A_724 : vector<1x16xf32> to vector<16xf32>
      %get3A_726 = arith.constant 15 : i32
      %get3A_727 = arith.index_cast %get3A_726 : i32 to index
      %get3A_728 = arith.index_cast %mul3A_541 : i32 to index
      %get3A_729 = tpu.vector_load %arg9[%get3A_727, %get3A_728] {strides = array<i32>} : memref<26x512xf32, #tpu.memory_space<vmem>>, vector<1x16xf32>,
      %get3A_730 = vector.shape_cast %get3A_729 : vector<1x16xf32> to vector<16xf32>
      %mul3A_731 = arith.mulf %get3A_725, %get3A_730 : vector<16xf32>
      %add3A_732 = arith.addf %add3A_720, %mul3A_731 : vector<16xf32>
      %get3A_733 = arith.constant 16 : i32
      %get3A_734 = arith.index_cast %get3A_733 : i32 to index
      %get3A_735 = arith.index_cast %mul3A_541 : i32 to index
      %get3A_736 = tpu.vector_load %arg8[%get3A_734, %get3A_735] {strides = array<i32>} : memref<26x512xf32, #tpu.memory_space<vmem>>, vector<1x16xf32>,
      %get3A_737 = vector.shape_cast %get3A_736 : vector<1x16xf32> to vector<16xf32>
      %get3A_738 = arith.constant 16 : i32
      %get3A_739 = arith.index_cast %get3A_738 : i32 to index
      %get3A_740 = arith.index_cast %mul3A_541 : i32 to index
      %get3A_741 = tpu.vector_load %arg9[%get3A_739, %get3A_740] {strides = array<i32>} : memref<26x512xf32, #tpu.memory_space<vmem>>, vector<1x16xf32>,
      %get3A_742 = vector.shape_cast %get3A_741 : vector<1x16xf32> to vector<16xf32>
      %mul3A_743 = arith.mulf %get3A_737, %get3A_742 : vector<16xf32>
      %add3A_744 = arith.addf %add3A_732, %mul3A_743 : vector<16xf32>
      %get3A_745 = arith.constant 17 : i32
      %get3A_746 = arith.index_cast %get3A_745 : i32 to index
      %get3A_747 = arith.index_cast %mul3A_541 : i32 to index
      %get3A_748 = tpu.vector_load %arg8[%get3A_746, %get3A_747] {strides = array<i32>} : memref<26x512xf32, #tpu.memory_space<vmem>>, vector<1x16xf32>,
      %get3A_749 = vector.shape_cast %get3A_748 : vector<1x16xf32> to vector<16xf32>
      %get3A_750 = arith.constant 17 : i32
      %get3A_751 = arith.index_cast %get3A_750 : i32 to index
      %get3A_752 = arith.index_cast %mul3A_541 : i32 to index
      %get3A_753 = tpu.vector_load %arg9[%get3A_751, %get3A_752] {strides = array<i32>} : memref<26x512xf32, #tpu.memory_space<vmem>>, vector<1x16xf32>,
      %get3A_754 = vector.shape_cast %get3A_753 : vector<1x16xf32> to vector<16xf32>
      %mul3A_755 = arith.mulf %get3A_749, %get3A_754 : vector<16xf32>
      %add3A_756 = arith.addf %add3A_744, %mul3A_755 : vector<16xf32>
      %get3A_757 = arith.constant 18 : i32
      %get3A_758 = arith.index_cast %get3A_757 : i32 to index
      %get3A_759 = arith.index_cast %mul3A_541 : i32 to index
      %get3A_760 = tpu.vector_load %arg8[%get3A_758, %get3A_759] {strides = array<i32>} : memref<26x512xf32, #tpu.memory_space<vmem>>, vector<1x16xf32>,
      %get3A_761 = vector.shape_cast %get3A_760 : vector<1x16xf32> to vector<16xf32>
      %get3A_762 = arith.constant 18 : i32
      %get3A_763 = arith.index_cast %get3A_762 : i32 to index
      %get3A_764 = arith.index_cast %mul3A_541 : i32 to index
      %get3A_765 = tpu.vector_load %arg9[%get3A_763, %get3A_764] {strides = array<i32>} : memref<26x512xf32, #tpu.memory_space<vmem>>, vector<1x16xf32>,
      %get3A_766 = vector.shape_cast %get3A_765 : vector<1x16xf32> to vector<16xf32>
      %mul3A_767 = arith.mulf %get3A_761, %get3A_766 : vector<16xf32>
      %add3A_768 = arith.addf %add3A_756, %mul3A_767 : vector<16xf32>
      %get3A_769 = arith.constant 19 : i32
      %get3A_770 = arith.index_cast %get3A_769 : i32 to index
      %get3A_771 = arith.index_cast %mul3A_541 : i32 to index
      %get3A_772 = tpu.vector_load %arg8[%get3A_770, %get3A_771] {strides = array<i32>} : memref<26x512xf32, #tpu.memory_space<vmem>>, vector<1x16xf32>,
      %get3A_773 = vector.shape_cast %get3A_772 : vector<1x16xf32> to vector<16xf32>
      %get3A_774 = arith.constant 19 : i32
      %get3A_775 = arith.index_cast %get3A_774 : i32 to index
      %get3A_776 = arith.index_cast %mul3A_541 : i32 to index
      %get3A_777 = tpu.vector_load %arg9[%get3A_775, %get3A_776] {strides = array<i32>} : memref<26x512xf32, #tpu.memory_space<vmem>>, vector<1x16xf32>,
      %get3A_778 = vector.shape_cast %get3A_777 : vector<1x16xf32> to vector<16xf32>
      %mul3A_779 = arith.mulf %get3A_773, %get3A_778 : vector<16xf32>
      %add3A_780 = arith.addf %add3A_768, %mul3A_779 : vector<16xf32>
      %get3A_781 = arith.constant 20 : i32
      %get3A_782 = arith.index_cast %get3A_781 : i32 to index
      %get3A_783 = arith.index_cast %mul3A_541 : i32 to index
      %get3A_784 = tpu.vector_load %arg8[%get3A_782, %get3A_783] {strides = array<i32>} : memref<26x512xf32, #tpu.memory_space<vmem>>, vector<1x16xf32>,
      %get3A_785 = vector.shape_cast %get3A_784 : vector<1x16xf32> to vector<16xf32>
      %get3A_786 = arith.constant 20 : i32
      %get3A_787 = arith.index_cast %get3A_786 : i32 to index
      %get3A_788 = arith.index_cast %mul3A_541 : i32 to index
      %get3A_789 = tpu.vector_load %arg9[%get3A_787, %get3A_788] {strides = array<i32>} : memref<26x512xf32, #tpu.memory_space<vmem>>, vector<1x16xf32>,
      %get3A_790 = vector.shape_cast %get3A_789 : vector<1x16xf32> to vector<16xf32>
      %mul3A_791 = arith.mulf %get3A_785, %get3A_790 : vector<16xf32>
      %add3A_792 = arith.addf %add3A_780, %mul3A_791 : vector<16xf32>
      %get3A_793 = arith.constant 21 : i32
      %get3A_794 = arith.index_cast %get3A_793 : i32 to index
      %get3A_795 = arith.index_cast %mul3A_541 : i32 to index
      %get3A_796 = tpu.vector_load %arg8[%get3A_794, %get3A_795] {strides = array<i32>} : memref<26x512xf32, #tpu.memory_space<vmem>>, vector<1x16xf32>,
      %get3A_797 = vector.shape_cast %get3A_796 : vector<1x16xf32> to vector<16xf32>
      %get3A_798 = arith.constant 21 : i32
      %get3A_799 = arith.index_cast %get3A_798 : i32 to index
      %get3A_800 = arith.index_cast %mul3A_541 : i32 to index
      %get3A_801 = tpu.vector_load %arg9[%get3A_799, %get3A_800] {strides = array<i32>} : memref<26x512xf32, #tpu.memory_space<vmem>>, vector<1x16xf32>,
      %get3A_802 = vector.shape_cast %get3A_801 : vector<1x16xf32> to vector<16xf32>
      %mul3A_803 = arith.mulf %get3A_797, %get3A_802 : vector<16xf32>
      %add3A_804 = arith.addf %add3A_792, %mul3A_803 : vector<16xf32>
      %get3A_805 = arith.constant 22 : i32
      %get3A_806 = arith.index_cast %get3A_805 : i32 to index
      %get3A_807 = arith.index_cast %mul3A_541 : i32 to index
      %get3A_808 = tpu.vector_load %arg8[%get3A_806, %get3A_807] {strides = array<i32>} : memref<26x512xf32, #tpu.memory_space<vmem>>, vector<1x16xf32>,
      %get3A_809 = vector.shape_cast %get3A_808 : vector<1x16xf32> to vector<16xf32>
      %get3A_810 = arith.constant 22 : i32
      %get3A_811 = arith.index_cast %get3A_810 : i32 to index
      %get3A_812 = arith.index_cast %mul3A_541 : i32 to index
      %get3A_813 = tpu.vector_load %arg9[%get3A_811, %get3A_812] {strides = array<i32>} : memref<26x512xf32, #tpu.memory_space<vmem>>, vector<1x16xf32>,
      %get3A_814 = vector.shape_cast %get3A_813 : vector<1x16xf32> to vector<16xf32>
      %mul3A_815 = arith.mulf %get3A_809, %get3A_814 : vector<16xf32>
      %add3A_816 = arith.addf %add3A_804, %mul3A_815 : vector<16xf32>
      %get3A_817 = arith.constant 23 : i32
      %get3A_818 = arith.index_cast %get3A_817 : i32 to index
      %get3A_819 = arith.index_cast %mul3A_541 : i32 to index
      %get3A_820 = tpu.vector_load %arg8[%get3A_818, %get3A_819] {strides = array<i32>} : memref<26x512xf32, #tpu.memory_space<vmem>>, vector<1x16xf32>,
      %get3A_821 = vector.shape_cast %get3A_820 : vector<1x16xf32> to vector<16xf32>
      %get3A_822 = arith.constant 23 : i32
      %get3A_823 = arith.index_cast %get3A_822 : i32 to index
      %get3A_824 = arith.index_cast %mul3A_541 : i32 to index
      %get3A_825 = tpu.vector_load %arg9[%get3A_823, %get3A_824] {strides = array<i32>} : memref<26x512xf32, #tpu.memory_space<vmem>>, vector<1x16xf32>,
      %get3A_826 = vector.shape_cast %get3A_825 : vector<1x16xf32> to vector<16xf32>
      %mul3A_827 = arith.mulf %get3A_821, %get3A_826 : vector<16xf32>
      %add3A_828 = arith.addf %add3A_816, %mul3A_827 : vector<16xf32>
      %get3A_829 = arith.constant 24 : i32
      %get3A_830 = arith.index_cast %get3A_829 : i32 to index
      %get3A_831 = arith.index_cast %mul3A_541 : i32 to index
      %get3A_832 = tpu.vector_load %arg8[%get3A_830, %get3A_831] {strides = array<i32>} : memref<26x512xf32, #tpu.memory_space<vmem>>, vector<1x16xf32>,
      %get3A_833 = vector.shape_cast %get3A_832 : vector<1x16xf32> to vector<16xf32>
      %get3A_834 = arith.constant 24 : i32
      %get3A_835 = arith.index_cast %get3A_834 : i32 to index
      %get3A_836 = arith.index_cast %mul3A_541 : i32 to index
      %get3A_837 = tpu.vector_load %arg9[%get3A_835, %get3A_836] {strides = array<i32>} : memref<26x512xf32, #tpu.memory_space<vmem>>, vector<1x16xf32>,
      %get3A_838 = vector.shape_cast %get3A_837 : vector<1x16xf32> to vector<16xf32>
      %mul3A_839 = arith.mulf %get3A_833, %get3A_838 : vector<16xf32>
      %add3A_840 = arith.addf %add3A_828, %mul3A_839 : vector<16xf32>
      %get3A_841 = arith.constant 25 : i32
      %get3A_842 = arith.index_cast %get3A_841 : i32 to index
      %get3A_843 = arith.index_cast %mul3A_541 : i32 to index
      %get3A_844 = tpu.vector_load %arg8[%get3A_842, %get3A_843] {strides = array<i32>} : memref<26x512xf32, #tpu.memory_space<vmem>>, vector<1x16xf32>,
      %get3A_845 = vector.shape_cast %get3A_844 : vector<1x16xf32> to vector<16xf32>
      %get3A_846 = arith.constant 25 : i32
      %get3A_847 = arith.index_cast %get3A_846 : i32 to index
      %get3A_848 = arith.index_cast %mul3A_541 : i32 to index
      %get3A_849 = tpu.vector_load %arg9[%get3A_847, %get3A_848] {strides = array<i32>} : memref<26x512xf32, #tpu.memory_space<vmem>>, vector<1x16xf32>,
      %get3A_850 = vector.shape_cast %get3A_849 : vector<1x16xf32> to vector<16xf32>
      %mul3A_851 = arith.mulf %get3A_845, %get3A_850 : vector<16xf32>
      %add3A_852 = arith.addf %add3A_840, %mul3A_851 : vector<16xf32>
      %mul3A_853 = vector.broadcast %scan3A_531 : f32 to vector<16xf32>
      %mul3A_854 = arith.mulf %add3A_852, %mul3A_853 : vector<16xf32>
      %add3A_855 = arith.addf %mul3A_854, %get3A_9 : vector<16xf32>
      %neg3A = arith.constant 0.000000e+00 : f32
      %neg3A_856 = vector.broadcast %neg3A : f32 to vector<16xf32>
      %neg3A_857 = arith.subf %neg3A_856, %add3A_855 : vector<16xf32>
      %exp3A = math.exp %neg3A_857 : vector<16xf32>
      %add3A_858 = arith.constant 1.000000e+00 : f32
      %add3A_859 = vector.broadcast %add3A_858 : f32 to vector<16xf32>
      %add3A_860 = arith.addf %add3A_859, %exp3A : vector<16xf32>
      %div3A = arith.constant 1.000000e+00 : f32
      %div3A_861 = vector.broadcast %div3A : f32 to vector<16xf32>
      %div3A_862 = arith.divf %div3A_861, %add3A_860 : vector<16xf32>
      %swap3A = arith.index_cast %mul3A_541 : i32 to index
      %swap3A_863 = tpu.vector_load %arg10[%swap3A] {strides = array<i32>} : memref<512xf32, #tpu.memory_space<vmem>>, vector<16xf32>,
      %swap3A_864 = vector.shape_cast %swap3A_863 : vector<16xf32> to vector<16xf32>
      %swap3A_865 = vector.shape_cast %div3A_862 : vector<16xf32> to vector<16xf32>
      tpu.vector_store %arg10[%swap3A], %swap3A_865 {strides = array<i32>} : memref<512xf32, #tpu.memory_space<vmem>>, vector<16xf32>,
    }
    %scan3A_536 = arith.constant 32 : i32
    %mul3A_537 = arith.constant 512 : i32
    %mul3A_538 = arith.muli %add3A, %mul3A_537 : i32
    "tpu.region"() ({
      %run_scoped3A = tpu.sem_alloc : memref<!tpu.dma_semaphore, #tpu.memory_space<semaphore_mem>>
      %dma_start3A_539 = tpu.memref_slice %arg6[%mul3A_538] : memref<16384xf32, #tpu.memory_space<hbm>> -> memref<512xf32, #tpu.memory_space<hbm>>
      %dma_start3A_540 = tpu.memref_slice %arg6[%mul3A_538] : memref<16384xf32, #tpu.memory_space<hbm>> -> memref<512xf32, #tpu.memory_space<hbm>>
      tpu.enqueue_dma source(%arg10 : memref<512xf32, #tpu.memory_space<vmem>>) target(%dma_start3A_540 : memref<512xf32, #tpu.memory_space<hbm>>) target_semaphore(%run_scoped3A : memref<!tpu.dma_semaphore, #tpu.memory_space<semaphore_mem>>)
      %dma_wait3A_541 = tpu.memref_slice %arg6[%mul3A_538] : memref<16384xf32, #tpu.memory_space<hbm>> -> memref<512xf32, #tpu.memory_space<hbm>>
      %dma_wait3A_542 = tpu.memref_slice %arg6[%mul3A_538] : memref<16384xf32, #tpu.memory_space<hbm>> -> memref<512xf32, #tpu.memory_space<hbm>>
      tpu.wait_dma2 semaphore(%run_scoped3A : memref<!tpu.dma_semaphore, #tpu.memory_space<semaphore_mem>>) src(%arg10 : memref<512xf32, #tpu.memory_space<vmem>>) dst(%dma_wait3A_542 : memref<512xf32, #tpu.memory_space<hbm>>)
      tpu.yield
    }) : () -> ()
    return
  }
}

module attributes {stable_mosaic.version = 14 : i64} {
  func.func @_tw_body(%arg0: i32, %arg1: memref<16x131072xf32, #tpu.memory_space<vmem>>, %arg2: memref<16x1xf32, #tpu.memory_space<vmem>>, %arg3: memref<131072xf32, #tpu.memory_space<vmem>>) attributes {dimension_semantics = [#tpu.dimension_semantics<arbitrary>], iteration_bounds = array<i64: 8>, scalar_prefetch = 0 : i64, scratch_operands = 0 : i64, tpu.core_type = #tpu.core_type<tc>, window_params = [{transform_indices = @transform_0, window_bounds = array<i64: 16, 131072>}, {pipeline_mode = #tpu.pipeline_mode<synchronous>, transform_indices = @transform_1, window_bounds = array<i64: 16, 1>}, {transform_indices = @transform_2, window_bounds = array<i64: 131072>}]} {
    %get3A = arith.constant 0 : index
    %get3A_0 = arith.constant 0 : index
    %get3A_1 = vector.load %arg1[%get3A, %get3A_0] : memref<16x131072xf32, #tpu.memory_space<vmem>>, vector<16x131072xf32>
    %get3A_2 = arith.constant 0 : index
    %get3A_3 = arith.constant 0 : index
    %get3A_4 = vector.load %arg2[%get3A_2, %get3A_3] : memref<16x1xf32, #tpu.memory_space<vmem>>, vector<16x1xf32>
    %mul3A = vector.broadcast %get3A_4 : vector<16x1xf32> to vector<16x131072xf32>
    %mul3A_5 = arith.mulf %get3A_1, %mul3A : vector<16x131072xf32>
    %reduce_sum3A = arith.constant dense<0.000000e+00> : vector<131072xf32>
    %reduce_sum3A_6 = vector.multi_reduction <add>, %mul3A_5, %reduce_sum3A [0] : vector<16x131072xf32> to vector<131072xf32>
    %swap3A = arith.constant 0 : index
    %swap3A_7 = vector.load %arg3[%swap3A] : memref<131072xf32, #tpu.memory_space<vmem>>, vector<131072xf32>
    tpu.vector_store %arg3[%swap3A], %reduce_sum3A_6 {strides = array<i32>} : memref<131072xf32, #tpu.memory_space<vmem>>, vector<131072xf32>,
    return
  }
  func.func @transform_0(%arg0: i32) -> (i32, i32) {
    %c0_i32 = arith.constant 0 : i32
    %c0_i32_0 = arith.constant 0 : i32
    return %c0_i32, %arg0 : i32, i32
  }
  func.func @transform_1(%arg0: i32) -> (i32, i32) {
    %c0_i32 = arith.constant 0 : i32
    %c0_i32_0 = arith.constant 0 : i32
    %c0_i32_1 = arith.constant 0 : i32
    return %c0_i32, %c0_i32_0 : i32, i32
  }
  func.func @transform_2(%arg0: i32) -> i32 {
    %c0_i32 = arith.constant 0 : i32
    return %arg0 : i32
  }
}

</mosaic_0001>

<sc_bundles>
// kernel: _lr.4.cloned.1.call-start
scs
__scs_entry_jumppad:
0x0: {  	(pc) =	sbr.rel $0x88, $3  }
0x1: {  	(tag) =	ssettag $0x0;
	lr =	simm.s32 $0x1  }
0x2: {  	[smem:$0x3F9C] =	sst lr;
	_ =	strace $0xD0000000  }
0x3: {  	_ = 	snop  }
0x4: {  	_ = 	snop  }
0x5: {  	_ = 	snop  }
0x6: {  	_ = 	snop  }
0x7: {  	_ = 	snop  }
__scs_overlays_trampoline_lowered:
0x8: {  	[smem:$0x3FAB] =	sst s0  }
0x9: {  	[smem:$0x3FAC] =	sst s1  }
0xa: {  	[smem:$0x3FAD] =	sst s2  }
0xb: {  	[smem:$0x3FAE] =	sst s3  }
0xc: {  	[smem:$0x3FAF] =	sst s4  }
0xd: {  	[smem:$0x3FB0] =	sst s5  }
0xe: {  	[smem:$0x3FB1] =	sst s6  }
0xf: {  	[smem:$0x3FB2] =	sst s7  }
0x10: {  	[smem:$0x3FB3] =	sst s8  }
0x11: {  	[smem:$0x3FB4] =	sst s9;
	s0 =	simm.s32 @!p0 $0x0  }
0x12: {  	s1 =	sld [smem:$0x3F9A];
	s0 =	simm.s32 @p0 $0x1  }
0x13: {  	[smem:$0x3FB5] =	sst s0;
	s0 =	simm.s32 @!p1 $0x0  }
0x14: {  	s2 =	sld [smem:$0x3F99];
	s0 =	simm.s32 @p1 $0x1  }
0x15: {  	[smem:$0x3FB6] =	sst s0;
	s0 =	simm.s32 @!p2 $0x0  }
0x16: {  	s3 =	sld [smem:$0x3FDB];
	s0 =	simm.s32 @p2 $0x1  }
0x17: {  	s4 =	simm.s32 $0x1BF5;
	[smem:$0x3FB8] =	sst s0  }
0x18: {  	s0 =	sld [smem:$0x3F9B];
	_ =	swait.ge [sflag:s4], $0x0  }
0x19: {  	s7 =	sld [smem:$0x3F9C]  }
0x1a: {  	s8 =	sadd.s32 $0xFFFFE003, lr  }
0x1b: {  	s9 =	sadd.s32 $0xFFFFFEF7, lr;
	s5 =	simm.s32 $0xFFFFFFFF;
	p2 =	slt.u32 s8, $0xFFFFF086  }
0x1c: {  	p1 =	slt.u32 s9, $0xF7A;
	s5 =	simm.s32 @!p2 $0x0  }
0x1d: {  	s5 =	simm.s32 @p1 $0x1;
	p0 =	seq.s32 s7, s2  }
0x1e: {  	s7 =	smul.u32 @!p0 $0xF7A, s2;
	p2 =	seq.s32 @!p0 s5, $0x0  }
0x1f: {  	s9 =	smul.u32 $0xF7A, s1;
	s8 =	simm.s32 @!p0 $0x1BF5;
	p2 =	por !p2, p0  }
0x20: {  	[sflag:s8] =	ssyncset.s32 @!p0 $0xFFFFF086;
	s6 =	sadd.s32 @!p0 s3, s7;
	s7 =	simm.s32 @!p0 $0x108  }
0x21: {  	s3 =	sadd.s32 s3, s9;
	s6 =	sadd.s32 @!p0 $0x88, s6;
	s7 =	simm.s32 @p2 $0x1082  }
0x22: {  	[simem:s7], [sflag:s8] =	dma.local @!p0 [hbm:s6], $0xF7A  }
0x23: {  	s9 =	sor.u32 $0xD0000000, s2;
	s6 =	simm.s32 $0x108;
	_ =	swait.ge @!p0 [sflag:s8], $0x0  }
0x24: {  	s3 =	sadd.s32 $0x88, s3;
	s6 =	simm.s32 @!p1 $0x1082;
	[sflag:s4] =	ssyncset.s32 $0xFFFFF086  }
0x25: {  	[simem:s6], [sflag:s4] =	dma.local [hbm:s3], $0xF7A  }
0x26: {  	[smem:$0x3F9C] =	sst s1;
	(tag) =	ssettag s2;
	_ =	strace s9  }
0x27: {  	s1 =	sld [smem:$0x3FAC]  }
0x28: {  	s2 =	sld [smem:$0x3FAD]  }
0x29: {  	s4 =	sld [smem:$0x3FAF]  }
0x2a: {  	p0 =	seq.s32 s5, $0x0;
	s5 =	sld [smem:$0x3FB0]  }
0x2b: {  	s6 =	sld [smem:$0x3FB1]  }
0x2c: {  	s7 =	sld [smem:$0x3FB2]  }
0x2d: {  	s3 =	simm.s32 $0x108;
	s8 =	sld [smem:$0x3FB3]  }
0x2e: {  	s3 =	simm.s32 @!p0 $0x1082;
	s9 =	sld [smem:$0x3FB4]  }
0x2f: {  	lr =	sadd.s32 s0, s3;
	s0 =	sld [smem:$0x3FAB]  }
0x30: {  	s3 =	sld [smem:$0x3FAE]  }
0x31: {  	[smem:$0x3FB7] =	sst s10  }
0x32: {  	s10 =	sld [smem:$0x3FB5];
	_ =	sdelay $0x3  }
0x33: {  	p0 =	seq.s32 s10, $0x1;
	s10 =	sld [smem:$0x3FB7];
	_ =	sdelay $0x3  }
0x34: {  	[smem:$0x3FB7] =	sst s10  }
0x35: {  	s10 =	sld [smem:$0x3FB6];
	_ =	sdelay $0x3  }
0x36: {  	p1 =	seq.s32 s10, $0x1;
	s10 =	sld [smem:$0x3FB7];
	_ =	sdelay $0x3  }
0x37: {  	[smem:$0x3FB7] =	sst s10  }
0x38: {  	s10 =	sld [smem:$0x3FB8]  }
0x39: {  	_ = 	snop;
	(pc) =	sbr.ind lr, $3  }
0x3a: {  	_ = 	snop  }
0x3b: {  	_ = 	snop  }
0x3c: {  	p2 =	seq.s32 s10, $0x1;
	s10 =	sld [smem:$0x3FB7]  }
0x3d: {  	_ =	shalt  }
0x3e: {  	_ =	shalt  }
0x3f: {  	_ =	shalt  }
0x40: {  	_ =	shalt  }
0x41: {  	_ =	shalt  }
0x42: {  	_ =	shalt  }
0x43: {  	_ =	shalt  }
0x44: {  	_ =	shalt  }
0x45: {  	_ =	shalt  }
0x46: {  	_ =	shalt  }
0x47: {  	_ =	shalt  }
0x48: {  	_ =	shalt  }
0x49: {  	_ =	shalt  }
0x4a: {  	_ =	shalt  }
0x4b: {  	_ =	shalt  }
0x4c: {  	_ =	shalt  }
0x4d: {  	_ =	shalt  }
0x4e: {  	_ =	shalt  }
0x4f: {  	_ =	shalt  }
0x50: {  	_ =	shalt  }
0x51: {  	_ =	shalt  }
0x52: {  	_ =	shalt  }
0x53: {  	_ =	shalt  }
0x54: {  	_ =	shalt  }
0x55: {  	_ =	shalt  }
0x56: {  	_ =	shalt  }
0x57: {  	_ =	shalt  }
0x58: {  	_ =	shalt  }
0x59: {  	_ =	shalt  }
0x5a: {  	_ =	shalt  }
0x5b: {  	_ =	shalt  }
0x5c: {  	_ =	shalt  }
0x5d: {  	_ =	shalt  }
0x5e: {  	_ =	shalt  }
0x5f: {  	_ =	shalt  }
0x60: {  	_ =	shalt  }
0x61: {  	_ =	shalt  }
0x62: {  	_ =	shalt  }
0x63: {  	_ =	shalt  }
0x64: {  	_ =	shalt  }
0x65: {  	_ =	shalt  }
0x66: {  	_ =	shalt  }
0x67: {  	_ =	shalt  }
0x68: {  	_ =	shalt  }
0x69: {  	_ =	shalt  }
0x6a: {  	_ =	shalt  }
0x6b: {  	_ =	shalt  }
0x6c: {  	_ =	shalt  }
0x6d: {  	_ =	shalt  }
0x6e: {  	_ =	shalt  }
0x6f: {  	_ =	shalt  }
0x70: {  	_ =	shalt  }
0x71: {  	_ =	shalt  }
0x72: {  	_ =	shalt  }
0x73: {  	_ =	shalt  }
0x74: {  	_ =	shalt  }
0x75: {  	_ =	shalt  }
0x76: {  	_ =	shalt  }
0x77: {  	_ =	shalt  }
0x78: {  	_ =	shalt  }
0x79: {  	_ =	shalt  }
0x7a: {  	_ =	shalt  }
0x7b: {  	_ =	shalt  }
0x7c: {  	_ =	shalt  }
0x7d: {  	_ =	shalt  }
0x7e: {  	_ =	shalt  }
0x7f: {  	_ =	shalt  }
0x80: {  	_ =	shalt  }
0x81: {  	_ =	shalt  }
0x82: {  	_ =	shalt  }
0x83: {  	_ =	shalt  }
0x84: {  	_ =	shalt  }
0x85: {  	_ =	shalt  }
0x86: {  	_ =	shalt  }
0x87: {  	_ =	shalt  }
.Lfunc_end0:
.L_simem_size_0:
called_computation_lowered:
.L_overlay_start_0:
0x88: {  	s2 =	sld [smem:$0x3FD9]  }
0x89: {  	s3 =	sld [smem:$0x3FFE];
	_ =	sdelay $0x1  }
0x8a: {  	s1 =	srdreg.scid  }
0x8b: {  	s0 =	sand.u32 $0x1, s1  }
0x8c: {  	s17 =	sshll.u32 s0, $0xA;
	s2 =	sadd.s32 s3, s2  }
0x8d: {  	s2 =	sadd.s32 s2, s17  }
0x8e: {  	[smem:$0x3FC3] =	sst s2  }
0x8f: {  	_ = 	snop  }
0x90: {  	s2 =	sld [smem:$0x3FD0];
	(tm) =	ssettm $0x1  }
0x91: {  	s18 =	sld [smem:$0x3FFB];
	_ =	sdelay $0x3  }
0x92: {  	_ =	strace s18  }
0x93: {  	s3 =	sld [smem:$0x3FFC];
	_ =	sdelay $0x3  }
0x94: {  	_ =	strace s3  }
0x95: {  	s3 =	sld [smem:$0x3FFD];
	_ =	sdelay $0x3  }
0x96: {  	_ =	strace s3  }
0x97: {  	_ =	strace $0x8FFFFFFF  }
0x98: {  	s19 =	sld [smem:$0x3FDB];
	_ =	sdelay $0x1  }
0x99: {  	s4 =	simm.s32 $_scs_section_size  }
0x9a: {  	s5 =	simm.s32 $_size__tile_overlayer_lowered;
	s6 =	simm.s32 $_tile_overlayer_lowered  }
0x9b: {  	s22 =	simm.s32 $0x1BFF;
	s21 =	sshll.u32 s6, $0x1;
	s3 =	sadd.s32 s4, s19  }
0x9c: {  	s7 =	simm.s32 $0x0;
	s20 =	sshll.u32 s5, $0x1;
	s5 =	sadd.s32 s21, s3  }
0x9d: {  	[timem:s7], [sflag:s22] =	dma.local [hbm:s5], s20  }
0x9e: {  	_ =	swait.ge [sflag:s22], s20  }
0x9f: {  	s4 =	ssub.s32 $0x0, s20;
	[sflag:s22] =	ssyncset.done $0x0  }
0xa0: {  	[sflag:s22] =	ssyncadd.s32 s4;
	_ =	sdelay $0x1  }
0xa1: {  	s23 =	simm.s32 $0x1B8B  }
0xa2: {  	_ =	swait.ge [sflag:s23], $0x1  }
0xa3: {  	[sflag:s23] =	ssyncset.done $0x0  }
0xa4: {  	s25 =	simm.s32 $0x1B8E;
	s24 =	sld [smem:$0x3FFE];
	[sflag:s23] =	ssyncadd.s32 $0xFFFFFFFF  }
0xa5: {  	s26 =	simm.s32 $execute0_lowered;
	[smem:$0x3FD2] =	sst s25  }
0xa6: {  	s5 =	sshll.u32 s26, $0x1;
	_ =	strace $0x80000046;
	[dreg:$0x1] =	wrdreg $0xFFFFFFFF  }
0xa7: {  	s28 =	simm.s32 $_size_execute0_lowered;
	s3 =	sadd.s32 s3, s5;
	[dreg:$0x0] =	wrdreg $0x0  }
0xa8: {  	s5 =	sshll.u32 s28, $0x1;
	[dreg:$0x2] =	wrdreg s3  }
0xa9: {  	[dreg:$0x3] =	wrdreg s5  }
0xaa: {  	[dreg:$0x4] =	wrdreg $0xC0  }
0xab: {  	_ =	task [dreg:s7], $0x5FFFF  }
0xac: {  	[dreg:$0x1] =	wrdreg $0xFFFFFFFF  }
0xad: {  	[dreg:$0x0] =	wrdreg $0x60  }
0xae: {  	[dreg:$0x2] =	wrdreg s24  }
0xaf: {  	[dreg:$0x3] =	wrdreg s2  }
0xb0: {  	[dreg:$0x4] =	wrdreg $0x9E100  }
0xb1: {  	[dreg:$0x5] =	wrdreg $0x9  }
0xb2: {  	_ =	task.clear_ibuf [dreg:s7], $0x6FFFF;
	_ =	strace $0x90000046  }
0xb3: {  	s29 =	simm.s32 $0x9;
	_ =	strace $0x80000048  }
0xb4: {  	_ =	swait.ge [sflag:s29], $0x1  }
0xb5: {  	[sflag:s29] =	ssyncadd.s32 $0xFFFFFFFF  }
0xb6: {  	_ =	strace $0x90000048  }
0xb7: {  	_ =	sfence  }
0xb8: {  	s30 =	sld [smem:$0x0];
	_ =	sdelay $0x2  }
0xb9: {  	s31 =	sshll.u32 s1, $0xD;
	s1 =	sshrl.u32 s1, $0x2  }
0xba: {  	s3 =	sand.u32 $0x4000, s31;
	s1 =	sadd.s32 s1, s30  }
0xbb: {  	s0 =	sor.u32 s3, s0;
	s1 =	sshll.u32 s1, $0x11  }
0xbc: {  	s0 =	sor.u32 s1, s0  }
0xbd: {  	s0 =	sadd.s32 $0x8F2B, s0  }
0xbe: {  	[sflag:s0] =	ssyncadd.remote.s32 $0x1  }
0xbf: {  	_ =	sfence.sel $0xFFFF  }
0xc0: {  	[dreg:$0x0] =	wrdreg $0xFFFFFFFF;
	(pc) =	sbr.abs _section_cstart, $3  }
0xc1: {  	[dreg:$0x1] =	wrdreg $0xFFFFFFFF  }
0xc2: {  	_ =	task.clear_ibuf [dreg:s7], $0x2FFFF;
	_ =	strace $0x9FFFFFFF  }
0xc3: {  	(tm) =	ssettm $0x7FFFFFFF  }
tec
execute0_lowered:
.L_overlay_start_1:
0x0: {  	(tag) =	ssettag $0x1  }
0x1: {  	s0 =	rddreg [dreg:$0x0]  }
0x2: {  	s1 =	rddreg [dreg:$0x1]  }
0x3: {  	s2 =	rddreg [dreg:$0x2];
	s3 =	simm.s32 $0x0;
	s4 =	srdreg.scid  }
0x4: {  	s11 =	stileid.u32;
	s12 =	simm.s32 $0x200;
	s13 =	simm.s32 $0x4000  }
0x5: {  	s14 =	simm.s32 $0x2;
	s17 =	simm.s32 $0x1;
	s28 =	simm.s32 $0x9400  }
0x6: {  	s29 =	simm.s32 $0x2E00;
	s30 =	simm.s32 $0x9600;
	s31 =	simm.s32 $0x3000  }
0x7: {  	s15 =	simm.s32 $0x9A00;
	s16 =	simm.s32 $0x9C00;
	s18 =	simm.s32 $0x0  }
0x8: {  	[smem:$0x7FF] =	sst s3;
	s4 =	sand.u32 $0x1, s4;
	s5 =	smul.u32 $0xF428, s11  }
0x9: {  	s6 =	sshll.u32 s11, $0x7;
	s25 =	sshll.u32 s11, $0x6;
	_ =	strace $0x80000047  }
0xa: {  	s7 =	sshll.u32 s4, $0x6;
	s23 =	ssub.s32 $0x2, s4;
	s4 =	sadd.s32 $0x39200, s0  }
0xb: {  	s9 =	sor.u32 s7, s6;
	s22 =	sshrl.u32 s5, $0x3;
	s10 =	sshrl.u32 s23, $0x1  }
0xc: {  	s26 =	sadd.s32 s5, s2;
	s8 =	sadd.s32 s9, s0;
	s6 =	sadd.s32 s22, s0  }
0xd: {  	s24 =	ssub.s32 s23, s10;
	s9 =	sadd.s32 s1, s9;
	s11 =	sshrl.u32 s26, $0x3  }
0xe: {  	s22 =	simm.s32 $0x2800;
	s23 =	simm.s32 $0x9000;
	s26 =	simm.s32 $0x2C00  }
0xf: {  	s0 =	simm.s32 $0x9800;
	s1 =	simm.s32 $0x3200;
	s5 =	sadd.s32 $0x1A800, s6  }
0x10: {  	s6 =	sor.u32 $0x1C01, s25;
	s7 =	sadd.s32 $0x800, s8;
	s8 =	sadd.s32 $0xD800, s8  }
0x11: {  	s10 =	smax.u32 s24, $0x1;
	s24 =	simm.s32 $0x2A00;
	s25 =	simm.s32 $0x9200  }
.LBB2_1:
0x12: {  	[spmem:s11], [sflag:s6] =	dma.local [hbm:s5], $0x1E85  }
0x13: {  	[tilespmem:s3], [sflag:$0x2] =	stream.strided.gather [hbm4b:s7+s12], $0x3400, s13, s12, $0x38;
	[tilespmem:$0x19238] =	vst v63  }
0x14: {  	_ =	swait.ge [sflag:s14], $0x3400  }
0x15: {  	[sflag:s14] =	ssyncset.done $0x0  }
0x16: {  	s19 =	simm.s32 $0x3400;
	[sflag:s14] =	ssyncadd.s32 $0xFFFFCC00  }
0x17: {  	[tilespmem:s19], [sflag:$0x2] =	stream.strided.gather [hbm4b:s8+s12], $0x3400, s13, s12, $0x38;
	[tilespmem:$0x19238] =	vst v63  }
0x18: {  	_ =	swait.ge [sflag:s14], $0x3400  }
0x19: {  	[sflag:s14] =	ssyncset.done $0x0  }
0x1a: {  	s20 =	simm.s32 $0x9E00;
	[sflag:s14] =	ssyncadd.s32 $0xFFFFCC00  }
0x1b: {  	[tilespmem:s20], [sflag:$0x2] =	stream.linear.gather [hbm4b:s4+s3], $0x10, $0x38;
	[tilespmem:$0x19238] =	vst v63  }
0x1c: {  	_ =	swait.ge [sflag:s14], $0x10  }
0x1d: {  	[sflag:s14] =	ssyncset.done $0x0  }
0x1e: {  	[sflag:s14] =	ssyncadd.s32 $0xFFFFFFF0  }
0x1f: {  	v0 =	vld [tilespmem:$0x9E00];
	_ =	swait.ge [sflag:s17], $0x1E85  }
0x20: {  	[sflag:s17] =	ssyncset.done $0x0  }
0x21: {  	[sflag:s17] =	ssyncadd.s32 $0xFFFFE17B  }
0x22: {  	s21 =	simm.s32 $0x6800;
	[bflag:$0x0] =	sbarrier.arrive $0xFFFF  }
0x23: {  	[tilespmem:s21], [sflag:$0x1] =	stream.indirect.gather [spmem:s2], $0x1, s3, s12, $0xb8;
	[tilespmem:$0x19238] =	vst v63  }
0x24: {  	s20 =	simm.s32 $0x6A00  }
0x25: {  	[tilespmem:s20], [sflag:$0x1] =	stream.indirect.gather [spmem:s2], $0x1, s12, s12, $0xb8;
	[tilespmem:$0x19238] =	vst v63  }
0x26: {  	s21 =	simm.s32 $0x400;
	s20 =	simm.s32 $0x6C00  }
0x27: {  	[tilespmem:s20], [sflag:$0x1] =	stream.indirect.gather [spmem:s2], $0x1, s21, s12, $0xb8;
	[tilespmem:$0x19238] =	vst v63  }
0x28: {  	s20 =	simm.s32 $0x600;
	s21 =	simm.s32 $0x6E00  }
0x29: {  	[tilespmem:s21], [sflag:$0x1] =	stream.indirect.gather [spmem:s2], $0x1, s20, s12, $0xb8;
	[tilespmem:$0x19238] =	vst v63  }
0x2a: {  	s20 =	simm.s32 $0x800;
	s21 =	simm.s32 $0x7000  }
0x2b: {  	[tilespmem:s21], [sflag:$0x1] =	stream.indirect.gather [spmem:s2], $0x1, s20, s12, $0xb8;
	[tilespmem:$0x19238] =	vst v63  }
0x2c: {  	s20 =	simm.s32 $0xA00;
	s21 =	simm.s32 $0x7200  }
0x2d: {  	[tilespmem:s21], [sflag:$0x1] =	stream.indirect.gather [spmem:s2], $0x1, s20, s12, $0xb8;
	[tilespmem:$0x19238] =	vst v63  }
0x2e: {  	s20 =	simm.s32 $0xC00;
	s21 =	simm.s32 $0x7400  }
0x2f: {  	[tilespmem:s21], [sflag:$0x1] =	stream.indirect.gather [spmem:s2], $0x1, s20, s12, $0xb8;
	[tilespmem:$0x19238] =	vst v63  }
0x30: {  	s20 =	simm.s32 $0xE00;
	s21 =	simm.s32 $0x7600  }
0x31: {  	[tilespmem:s21], [sflag:$0x1] =	stream.indirect.gather [spmem:s2], $0x1, s20, s12, $0xb8;
	[tilespmem:$0x19238] =	vst v63  }
0x32: {  	s20 =	simm.s32 $0x1000;
	s21 =	simm.s32 $0x7800  }
0x33: {  	[tilespmem:s21], [sflag:$0x1] =	stream.indirect.gather [spmem:s2], $0x1, s20, s12, $0xb8;
	[tilespmem:$0x19238] =	vst v63  }
0x34: {  	s20 =	simm.s32 $0x1200;
	s21 =	simm.s32 $0x7A00  }
0x35: {  	[tilespmem:s21], [sflag:$0x1] =	stream.indirect.gather [spmem:s2], $0x1, s20, s12, $0xb8;
	[tilespmem:$0x19238] =	vst v63  }
0x36: {  	s20 =	simm.s32 $0x1400;
	s21 =	simm.s32 $0x7C00  }
0x37: {  	[tilespmem:s21], [sflag:$0x1] =	stream.indirect.gather [spmem:s2], $0x1, s20, s12, $0xb8;
	[tilespmem:$0x19238] =	vst v63  }
0x38: {  	s20 =	simm.s32 $0x1600;
	s21 =	simm.s32 $0x7E00  }
0x39: {  	[tilespmem:s21], [sflag:$0x1] =	stream.indirect.gather [spmem:s2], $0x1, s20, s12, $0xb8;
	[tilespmem:$0x19238] =	vst v63  }
0x3a: {  	s20 =	simm.s32 $0x1800;
	s21 =	simm.s32 $0x8000  }
0x3b: {  	[tilespmem:s21], [sflag:$0x1] =	stream.indirect.gather [spmem:s2], $0x1, s20, s12, $0xb8;
	[tilespmem:$0x19238] =	vst v63  }
0x3c: {  	s20 =	simm.s32 $0x1A00;
	s21 =	simm.s32 $0x8200  }
0x3d: {  	[tilespmem:s21], [sflag:$0x1] =	stream.indirect.gather [spmem:s2], $0x1, s20, s12, $0xb8;
	[tilespmem:$0x19238] =	vst v63  }
0x3e: {  	s20 =	simm.s32 $0x1C00;
	s21 =	simm.s32 $0x8400  }
0x3f: {  	[tilespmem:s21], [sflag:$0x1] =	stream.indirect.gather [spmem:s2], $0x1, s20, s12, $0xb8;
	[tilespmem:$0x19238] =	vst v63  }
0x40: {  	s20 =	simm.s32 $0x1E00;
	s21 =	simm.s32 $0x8600  }
0x41: {  	[tilespmem:s21], [sflag:$0x1] =	stream.indirect.gather [spmem:s2], $0x1, s20, s12, $0xb8;
	[tilespmem:$0x19238] =	vst v63  }
0x42: {  	s20 =	simm.s32 $0x2000;
	s21 =	simm.s32 $0x8800  }
0x43: {  	[tilespmem:s21], [sflag:$0x1] =	stream.indirect.gather [spmem:s2], $0x1, s20, s12, $0xb8;
	[tilespmem:$0x19238] =	vst v63  }
0x44: {  	s20 =	simm.s32 $0x2200;
	s21 =	simm.s32 $0x8A00  }
0x45: {  	[tilespmem:s21], [sflag:$0x1] =	stream.indirect.gather [spmem:s2], $0x1, s20, s12, $0xb8;
	[tilespmem:$0x19238] =	vst v63  }
0x46: {  	s20 =	simm.s32 $0x2400;
	s21 =	simm.s32 $0x8C00  }
0x47: {  	[tilespmem:s21], [sflag:$0x1] =	stream.indirect.gather [spmem:s2], $0x1, s20, s12, $0xb8;
	[tilespmem:$0x19238] =	vst v63  }
0x48: {  	s20 =	simm.s32 $0x2600;
	s21 =	simm.s32 $0x8E00  }
0x49: {  	[tilespmem:s21], [sflag:$0x1] =	stream.indirect.gather [spmem:s2], $0x1, s20, s12, $0xb8;
	[tilespmem:$0x19238] =	vst v63  }
0x4a: {  	_ = 	snop  }
0x4b: {  	[tilespmem:s23], [sflag:$0x1] =	stream.indirect.gather [spmem:s2], $0x1, s22, s12, $0xb8;
	[tilespmem:$0x19238] =	vst v63  }
0x4c: {  	_ = 	snop  }
0x4d: {  	[tilespmem:s25], [sflag:$0x1] =	stream.indirect.gather [spmem:s2], $0x1, s24, s12, $0xb8;
	[tilespmem:$0x19238] =	vst v63  }
0x4e: {  	_ = 	snop  }
0x4f: {  	[tilespmem:s28], [sflag:$0x1] =	stream.indirect.gather [spmem:s2], $0x1, s26, s12, $0xb8;
	[tilespmem:$0x19238] =	vst v63  }
0x50: {  	_ = 	snop  }
0x51: {  	[tilespmem:s30], [sflag:$0x1] =	stream.indirect.gather [spmem:s2], $0x1, s29, s12, $0xb8;
	[tilespmem:$0x19238] =	vst v63  }
0x52: {  	_ = 	snop  }
0x53: {  	[tilespmem:s0], [sflag:$0x1] =	stream.indirect.gather [spmem:s2], $0x1, s31, s12, $0xb8;
	[tilespmem:$0x19238] =	vst v63  }
0x54: {  	_ = 	snop  }
0x55: {  	[tilespmem:s15], [sflag:$0x1] =	stream.indirect.gather [spmem:s2], $0x1, s1, s12, $0xb8;
	[tilespmem:$0x19238] =	vst v63  }
0x56: {  	_ =	swait.ge [sflag:s17], $0x200  }
0x57: {  	[sflag:s17] =	ssyncset.done $0x0  }
0x58: {  	[sflag:s17] =	ssyncadd.s32 $0xFFFFFE00  }
0x59: {  	_ =	swait.ge [sflag:s17], $0x200  }
0x5a: {  	[sflag:s17] =	ssyncset.done $0x0  }
0x5b: {  	[sflag:s17] =	ssyncadd.s32 $0xFFFFFE00  }
0x5c: {  	_ =	swait.ge [sflag:s17], $0x200  }
0x5d: {  	[sflag:s17] =	ssyncset.done $0x0  }
0x5e: {  	[sflag:s17] =	ssyncadd.s32 $0xFFFFFE00  }
0x5f: {  	_ =	swait.ge [sflag:s17], $0x200  }
0x60: {  	[sflag:s17] =	ssyncset.done $0x0  }
0x61: {  	[sflag:s17] =	ssyncadd.s32 $0xFFFFFE00  }
0x62: {  	_ =	swait.ge [sflag:s17], $0x200  }
0x63: {  	[sflag:s17] =	ssyncset.done $0x0  }
0x64: {  	[sflag:s17] =	ssyncadd.s32 $0xFFFFFE00  }
0x65: {  	_ =	swait.ge [sflag:s17], $0x200  }
0x66: {  	[sflag:s17] =	ssyncset.done $0x0  }
0x67: {  	[sflag:s17] =	ssyncadd.s32 $0xFFFFFE00  }
0x68: {  	_ =	swait.ge [sflag:s17], $0x200  }
0x69: {  	[sflag:s17] =	ssyncset.done $0x0  }
0x6a: {  	[sflag:s17] =	ssyncadd.s32 $0xFFFFFE00  }
0x6b: {  	_ =	swait.ge [sflag:s17], $0x200  }
0x6c: {  	[sflag:s17] =	ssyncset.done $0x0  }
0x6d: {  	[sflag:s17] =	ssyncadd.s32 $0xFFFFFE00  }
0x6e: {  	_ =	swait.ge [sflag:s17], $0x200  }
0x6f: {  	[sflag:s17] =	ssyncset.done $0x0  }
0x70: {  	[sflag:s17] =	ssyncadd.s32 $0xFFFFFE00  }
0x71: {  	_ =	swait.ge [sflag:s17], $0x200  }
0x72: {  	[sflag:s17] =	ssyncset.done $0x0  }
0x73: {  	[sflag:s17] =	ssyncadd.s32 $0xFFFFFE00  }
0x74: {  	_ =	swait.ge [sflag:s17], $0x200  }
0x75: {  	[sflag:s17] =	ssyncset.done $0x0  }
0x76: {  	[sflag:s17] =	ssyncadd.s32 $0xFFFFFE00  }
0x77: {  	_ =	swait.ge [sflag:s17], $0x200  }
0x78: {  	[sflag:s17] =	ssyncset.done $0x0  }
0x79: {  	[sflag:s17] =	ssyncadd.s32 $0xFFFFFE00  }
0x7a: {  	_ =	swait.ge [sflag:s17], $0x200  }
0x7b: {  	[sflag:s17] =	ssyncset.done $0x0  }
0x7c: {  	[sflag:s17] =	ssyncadd.s32 $0xFFFFFE00  }
0x7d: {  	_ =	swait.ge [sflag:s17], $0x200  }
0x7e: {  	[sflag:s17] =	ssyncset.done $0x0  }
0x7f: {  	[sflag:s17] =	ssyncadd.s32 $0xFFFFFE00  }
0x80: {  	_ =	swait.ge [sflag:s17], $0x200  }
0x81: {  	[sflag:s17] =	ssyncset.done $0x0  }
0x82: {  	[sflag:s17] =	ssyncadd.s32 $0xFFFFFE00  }
0x83: {  	_ =	swait.ge [sflag:s17], $0x200  }
0x84: {  	[sflag:s17] =	ssyncset.done $0x0  }
0x85: {  	[sflag:s17] =	ssyncadd.s32 $0xFFFFFE00  }
0x86: {  	_ =	swait.ge [sflag:s17], $0x200  }
0x87: {  	[sflag:s17] =	ssyncset.done $0x0  }
0x88: {  	[sflag:s17] =	ssyncadd.s32 $0xFFFFFE00  }
0x89: {  	_ =	swait.ge [sflag:s17], $0x200  }
0x8a: {  	[sflag:s17] =	ssyncset.done $0x0  }
0x8b: {  	[sflag:s17] =	ssyncadd.s32 $0xFFFFFE00  }
0x8c: {  	_ =	swait.ge [sflag:s17], $0x200  }
0x8d: {  	[sflag:s17] =	ssyncset.done $0x0  }
0x8e: {  	[sflag:s17] =	ssyncadd.s32 $0xFFFFFE00  }
0x8f: {  	_ =	swait.ge [sflag:s17], $0x200  }
0x90: {  	[sflag:s17] =	ssyncset.done $0x0  }
0x91: {  	[sflag:s17] =	ssyncadd.s32 $0xFFFFFE00  }
0x92: {  	_ =	swait.ge [sflag:s17], $0x200  }
0x93: {  	[sflag:s17] =	ssyncset.done $0x0  }
0x94: {  	[sflag:s17] =	ssyncadd.s32 $0xFFFFFE00  }
0x95: {  	_ =	swait.ge [sflag:s17], $0x200  }
0x96: {  	[sflag:s17] =	ssyncset.done $0x0  }
0x97: {  	[sflag:s17] =	ssyncadd.s32 $0xFFFFFE00  }
0x98: {  	_ =	swait.ge [sflag:s17], $0x200  }
0x99: {  	[sflag:s17] =	ssyncset.done $0x0  }
0x9a: {  	[sflag:s17] =	ssyncadd.s32 $0xFFFFFE00  }
0x9b: {  	_ =	swait.ge [sflag:s17], $0x200  }
0x9c: {  	[sflag:s17] =	ssyncset.done $0x0  }
0x9d: {  	[sflag:s17] =	ssyncadd.s32 $0xFFFFFE00  }
0x9e: {  	_ =	swait.ge [sflag:s17], $0x200  }
0x9f: {  	[sflag:s17] =	ssyncset.done $0x0  }
0xa0: {  	[sflag:s17] =	ssyncadd.s32 $0xFFFFFE00  }
0xa1: {  	_ =	swait.ge [sflag:s17], $0x200  }
0xa2: {  	[sflag:s17] =	ssyncset.done $0x0  }
0xa3: {  	s19 =	simm.s32 $0x0;
	[sflag:s17] =	ssyncadd.s32 $0xFFFFFE00  }
0xa4: {  	v1 =	vld [tilespmem:s19+$0x3400]  }
0xa5: {  	v2 =	vld [tilespmem:s19+$0x6800]  }
0xa6: {  	v3 =	vld [tilespmem:s19+$0x3600]  }
0xa7: {  	v4 =	vld [tilespmem:s19+$0x6A00]  }
0xa8: {  	v5 =	vld [tilespmem:s19+$0x3800]  }
0xa9: {  	v6 =	vld [tilespmem:s19+$0x6C00]  }
0xaa: {  	v7 =	vld [tilespmem:s19+$0x3A00]  }
0xab: {  	v8 =	vld [tilespmem:s19+$0x6E00]  }
0xac: {  	v1 =	vmul.f32 v2, v1;
	v2 =	vmul.f32 v4, v3;
	v3 =	vld [tilespmem:s19+$0x3C00]  }
0xad: {  	v4 =	vld [tilespmem:s19+$0x7000]  }
0xae: {  	v1 =	vadd.f32 v2, v1;
	v2 =	vmul.f32 v6, v5;
	v5 =	vld [tilespmem:s19+$0x3E00]  }
0xaf: {  	v6 =	vld [tilespmem:s19+$0x7200]  }
0xb0: {  	v1 =	vadd.f32 v2, v1;
	v2 =	vmul.f32 v8, v7;
	v7 =	vld [tilespmem:s19+$0x4000]  }
0xb1: {  	v8 =	vld [tilespmem:s19+$0x7400]  }
0xb2: {  	v1 =	vadd.f32 v2, v1;
	v2 =	vmul.f32 v4, v3;
	v3 =	vld [tilespmem:s19+$0x4200]  }
0xb3: {  	v4 =	vld [tilespmem:s19+$0x7600]  }
0xb4: {  	v1 =	vadd.f32 v2, v1;
	v2 =	vmul.f32 v6, v5;
	v5 =	vld [tilespmem:s19+$0x4400]  }
0xb5: {  	v6 =	vld [tilespmem:s19+$0x7800]  }
0xb6: {  	v1 =	vadd.f32 v2, v1;
	v2 =	vmul.f32 v8, v7;
	v7 =	vld [tilespmem:s19+$0x4600]  }
0xb7: {  	v8 =	vld [tilespmem:s19+$0x7A00]  }
0xb8: {  	v1 =	vadd.f32 v2, v1;
	v2 =	vmul.f32 v4, v3;
	v3 =	vld [tilespmem:s19+$0x4800]  }
0xb9: {  	v4 =	vld [tilespmem:s19+$0x7C00]  }
0xba: {  	v1 =	vadd.f32 v2, v1;
	v2 =	vmul.f32 v6, v5;
	v5 =	vld [tilespmem:s19+$0x4A00]  }
0xbb: {  	v6 =	vld [tilespmem:s19+$0x7E00]  }
0xbc: {  	v1 =	vadd.f32 v2, v1;
	v2 =	vmul.f32 v8, v7;
	v7 =	vld [tilespmem:s19+$0x4C00]  }
0xbd: {  	v8 =	vld [tilespmem:s19+$0x8000]  }
0xbe: {  	v1 =	vadd.f32 v2, v1;
	v2 =	vmul.f32 v4, v3;
	v3 =	vld [tilespmem:s19+$0x4E00]  }
0xbf: {  	v4 =	vld [tilespmem:s19+$0x8200]  }
0xc0: {  	v1 =	vadd.f32 v2, v1;
	v2 =	vmul.f32 v6, v5;
	v5 =	vld [tilespmem:s19+$0x5000]  }
0xc1: {  	v6 =	vld [tilespmem:s19+$0x8400]  }
0xc2: {  	v1 =	vadd.f32 v2, v1;
	v2 =	vmul.f32 v8, v7;
	v7 =	vld [tilespmem:s19+$0x5200]  }
0xc3: {  	v8 =	vld [tilespmem:s19+$0x8600]  }
0xc4: {  	v1 =	vadd.f32 v2, v1;
	v2 =	vmul.f32 v4, v3;
	v3 =	vld [tilespmem:s19+$0x5400]  }
0xc5: {  	v4 =	vld [tilespmem:s19+$0x8800]  }
0xc6: {  	v1 =	vadd.f32 v2, v1;
	v2 =	vmul.f32 v6, v5;
	v5 =	vld [tilespmem:s19+$0x5600]  }
0xc7: {  	v6 =	vld [tilespmem:s19+$0x8A00]  }
0xc8: {  	v1 =	vadd.f32 v2, v1;
	v2 =	vmul.f32 v8, v7;
	v7 =	vld [tilespmem:s19+$0x5800]  }
0xc9: {  	v8 =	vld [tilespmem:s19+$0x8C00]  }
0xca: {  	v1 =	vadd.f32 v2, v1;
	v2 =	vmul.f32 v4, v3;
	v3 =	vld [tilespmem:s19+$0x5A00]  }
0xcb: {  	v4 =	vld [tilespmem:s19+$0x8E00]  }
0xcc: {  	v1 =	vadd.f32 v2, v1;
	v2 =	vmul.f32 v6, v5;
	v5 =	vld [tilespmem:s19+$0x5C00]  }
0xcd: {  	v6 =	vld [tilespmem:s19+$0x9000]  }
0xce: {  	v1 =	vadd.f32 v2, v1;
	v2 =	vmul.f32 v8, v7;
	v7 =	vld [tilespmem:s19+$0x5E00]  }
0xcf: {  	v8 =	vld [tilespmem:s19+$0x9200]  }
0xd0: {  	v1 =	vadd.f32 v2, v1;
	v2 =	vmul.f32 v4, v3;
	v3 =	vld [tilespmem:s19+$0x6000]  }
0xd1: {  	v4 =	vld [tilespmem:s19+$0x9400]  }
0xd2: {  	v9 =	vld [tilespmem:s19+$0x9600];
	v1 =	vadd.f32 v2, v1;
	v2 =	vmul.f32 v6, v5  }
0xd3: {  	v6 =	vld [tilespmem:s19+$0x6200]  }
0xd4: {  	v1 =	vadd.f32 v2, v1;
	v2 =	vmul.f32 v8, v7;
	v7 =	vld [tilespmem:s19+$0x6400]  }
0xd5: {  	v8 =	vld [tilespmem:s19+$0x9800]  }
0xd6: {  	v5 =	vld [tilespmem:s19+$0x9A00];
	v3 =	vmul.f32 v4, v3;
	v10 =	vadd.f32 v2, v1  }
0xd7: {  	s20 =	simm.s32 $0x10;
	v2 =	vld [tilespmem:s19+$0x6600]  }
0xd8: {  	v4 =	vld [tilespmem:s20+$0x6800];
	v6 =	vmul.f32 v9, v6;
	v10 =	vadd.f32 v3, v10  }
0xd9: {  	v1 =	vld [tilespmem:s20+$0x3400]  }
0xda: {  	s21 =	simm.s32 $0x80;
	v3 =	vld [tilespmem:s20+$0x3600];
	v7 =	vmul.f32 v8, v7;
	v6 =	vadd.f32 v6, v10  }
.LBB2_2:
0xdb: {  	p0 =	sne.s32 s21, $0x7C0;
	v8 =	vld [tilespmem:s20+$0x6A00]  }
0xdc: {  	v9 =	vld [tilespmem:s20+$0x3800];
	v6 =	vadd.f32 v7, v6;
	v2 =	vmul.f32 v5, v2  }
0xdd: {  	v5 =	vld [tilespmem:s20+$0x6C00]  }
0xde: {  	v7 =	vld [tilespmem:s20+$0x3A00];
	v2 =	vadd.f32 v2, v6  }
0xdf: {  	v1 =	vmul.f32 v4, v1;
	v4 =	vld [tilespmem:s20+$0x6E00]  }
0xe0: {  	v3 =	vmul.f32 v8, v3;
	v6 =	vld [tilespmem:s20+$0x3C00];
	v2 =	vmul.f32 $3.846153990e-02, v2  }
0xe1: {  	v8 =	vld [tilespmem:s20+$0x7000]  }
0xe2: {  	v1 =	vadd.f32 v3, v1;
	v3 =	vmul.f32 v5, v9;
	v5 =	vld [tilespmem:s20+$0x3E00];
	v2 =	vadd.f32 v2, v0  }
0xe3: {  	v9 =	vld [tilespmem:s20+$0x7200]  }
0xe4: {  	v1 =	vadd.f32 v3, v1;
	v3 =	vmul.f32 v4, v7;
	v4 =	vld [tilespmem:s20+$0x4000];
	v2 =	vsub.f32 $0.0e+00, v2  }
0xe5: {  	v7 =	vld [tilespmem:s20+$0x7400]  }
0xe6: {  	v1 =	vadd.f32 v3, v1;
	v3 =	vmul.f32 v8, v6;
	v6 =	vld [tilespmem:s20+$0x4200];
	v2 =	vmul.f32 $1.442695020e+00, v2  }
0xe7: {  	v8 =	vld [tilespmem:s20+$0x7600]  }
0xe8: {  	v1 =	vadd.f32 v3, v1;
	v3 =	vmul.f32 v9, v5;
	v5 =	vld [tilespmem:s20+$0x4400];
	(erf) = vpow2.f32 v2  }
0xe9: {  	v2 =	vld [tilespmem:s20+$0x7800]  }
0xea: {  	v1 =	vadd.f32 v3, v1;
	v3 =	vmul.f32 v7, v4;
	v4 =	vld [tilespmem:s20+$0x4600]  }
0xeb: {  	v7 =	vld [tilespmem:s20+$0x7A00]  }
0xec: {  	v1 =	vadd.f32 v3, v1;
	v3 =	vmul.f32 v8, v6;
	v6 =	vld [tilespmem:s20+$0x4800]  }
0xed: {  	v8 =	vld [tilespmem:s20+$0x7C00]  }
0xee: {  	v1 =	vadd.f32 v3, v1;
	v2 =	vmul.f32 v2, v5;
	v3 =	vld [tilespmem:s20+$0x4A00]  }
0xef: {  	v5 =	vld [tilespmem:s20+$0x7E00]  }
0xf0: {  	v1 =	vadd.f32 v2, v1;
	v2 =	vmul.f32 v7, v4;
	v4 =	vld [tilespmem:s20+$0x4C00]  }
0xf1: {  	v7 =	vld [tilespmem:s20+$0x8000];
	v9 =	vpop (erf)  }
0xf2: {  	v1 =	vadd.f32 v2, v1;
	v2 =	vmul.f32 v8, v6;
	v6 =	vld [tilespmem:s20+$0x4E00];
	v8 =	vadd.f32 $1.000000000e+00, v9  }
0xf3: {  	v9 =	vld [tilespmem:s20+$0x8200]  }
0xf4: {  	v1 =	vadd.f32 v2, v1;
	v2 =	vmul.f32 v5, v3;
	v3 =	vld [tilespmem:s20+$0x5000];
	(erf) = vrcp.f32 v8  }
0xf5: {  	v5 =	vld [tilespmem:s20+$0x8400]  }
0xf6: {  	v1 =	vadd.f32 v2, v1;
	v2 =	vmul.f32 v7, v4;
	v4 =	vld [tilespmem:s20+$0x5200]  }
0xf7: {  	v7 =	vld [tilespmem:s20+$0x8600]  }
0xf8: {  	v1 =	vadd.f32 v2, v1;
	v2 =	vmul.f32 v9, v6;
	v6 =	vld [tilespmem:s20+$0x5400]  }
0xf9: {  	v8 =	vld [tilespmem:s20+$0x8800]  }
0xfa: {  	v1 =	vadd.f32 v2, v1;
	v2 =	vmul.f32 v5, v3;
	v3 =	vld [tilespmem:s20+$0x5600]  }
0xfb: {  	v5 =	vld [tilespmem:s20+$0x8A00]  }
0xfc: {  	v1 =	vadd.f32 v2, v1;
	v2 =	vmul.f32 v7, v4;
	v4 =	vld [tilespmem:s20+$0x5800]  }
0xfd: {  	v7 =	vld [tilespmem:s20+$0x8C00];
	v9 =	vpop (erf)  }
0xfe: {  	v1 =	vadd.f32 v2, v1;
	v2 =	vmul.f32 v8, v6;
	v6 =	vld [tilespmem:s20+$0x5A00];
	[tilespmem:s19+$0x9C00] =	vst v9;
	s19 =	smov.u32 s20  }
0xff: {  	v8 =	vld [tilespmem:s19+$0x8E00]  }
0x100: {  	v1 =	vadd.f32 v2, v1;
	v2 =	vmul.f32 v5, v3;
	v3 =	vld [tilespmem:s19+$0x5C00]  }
0x101: {  	v5 =	vld [tilespmem:s19+$0x9000]  }
0x102: {  	v1 =	vadd.f32 v2, v1;
	v2 =	vmul.f32 v7, v4;
	v4 =	vld [tilespmem:s19+$0x5E00]  }
0x103: {  	v7 =	vld [tilespmem:s19+$0x9200]  }
0x104: {  	v1 =	vadd.f32 v2, v1;
	v2 =	vmul.f32 v8, v6;
	v6 =	vld [tilespmem:s19+$0x6000]  }
0x105: {  	v8 =	vld [tilespmem:s19+$0x9400]  }
0x106: {  	v1 =	vadd.f32 v2, v1;
	v2 =	vmul.f32 v5, v3;
	v3 =	vld [tilespmem:s19+$0x6200]  }
0x107: {  	v9 =	vld [tilespmem:s19+$0x9600]  }
0x108: {  	v1 =	vadd.f32 v2, v1;
	v2 =	vmul.f32 v7, v4;
	v7 =	vld [tilespmem:s19+$0x6400]  }
0x109: {  	v10 =	vld [tilespmem:s19+$0x9800]  }
.Ltmp0:
0x10a: {  	v4 =	vadd.f32 v2, v1;
	v6 =	vmul.f32 v8, v6;
	v2 =	vld [tilespmem:s19+$0x6600];
	(pc) =	sbr.rel @p0 .LBB2_2-.Ltmp0, $4  }
0x10b: {  	s20 =	sshra.s32 s21, $0x2;
	v5 =	vld [tilespmem:s19+$0x9A00]  }
0x10c: {  	v1 =	vld [tilespmem:s20+$0x3400];
	v6 =	vadd.f32 v6, v4;
	v8 =	vmul.f32 v9, v3  }
0x10d: {  	v4 =	vld [tilespmem:s20+$0x6800]  }
0x10e: {  	s21 =	sadd.s32 $0x40, s21;
	v3 =	vld [tilespmem:s20+$0x3600];
	v6 =	vadd.f32 v8, v6;
	v7 =	vmul.f32 v10, v7  }
0x10f: {  	v8 =	vld [tilespmem:s20+$0x6A00]  }
0x110: {  	v9 =	vld [tilespmem:s20+$0x3800];
	v6 =	vadd.f32 v7, v6;
	v2 =	vmul.f32 v5, v2  }
0x111: {  	v44 =	vld [tilespmem:s20+$0x6C00]  }
0x112: {  	v45 =	vld [tilespmem:s20+$0x3A00];
	v2 =	vadd.f32 v2, v6  }
0x113: {  	v46 =	vld [tilespmem:s20+$0x6E00];
	v1 =	vmul.f32 v4, v1  }
0x114: {  	v47 =	vld [tilespmem:s20+$0x3C00];
	v3 =	vmul.f32 v8, v3;
	v2 =	vmul.f32 $3.846153990e-02, v2  }
0x115: {  	v48 =	vld [tilespmem:s20+$0x7000]  }
0x116: {  	v10 =	vld [tilespmem:s20+$0x3E00];
	v49 =	vmul.f32 v44, v9;
	v1 =	vadd.f32 v3, v1;
	v2 =	vadd.f32 v2, v0  }
0x117: {  	v50 =	vld [tilespmem:s20+$0x7200]  }
0x118: {  	v51 =	vld [tilespmem:s20+$0x4000];
	v52 =	vmul.f32 v46, v45;
	v1 =	vadd.f32 v49, v1;
	v2 =	vsub.f32 $0.0e+00, v2  }
0x119: {  	v53 =	vld [tilespmem:s20+$0x7400]  }
0x11a: {  	v54 =	vld [tilespmem:s20+$0x4200];
	v55 =	vmul.f32 v48, v47;
	v1 =	vadd.f32 v52, v1;
	v2 =	vmul.f32 $1.442695020e+00, v2  }
0x11b: {  	v56 =	vld [tilespmem:s20+$0x7600]  }
0x11c: {  	v57 =	vld [tilespmem:s20+$0x4400];
	v58 =	vmul.f32 v50, v10;
	v1 =	vadd.f32 v55, v1;
	(erf) = vpow2.f32 v2  }
0x11d: {  	v59 =	vld [tilespmem:s20+$0x7800]  }
0x11e: {  	v60 =	vld [tilespmem:s20+$0x4600];
	v61 =	vmul.f32 v53, v51;
	v1 =	vadd.f32 v58, v1  }
0x11f: {  	v62 =	vld [tilespmem:s20+$0x7A00]  }
0x120: {  	v63 =	vld [tilespmem:s20+$0x4800];
	v12 =	vmul.f32 v56, v54;
	v1 =	vadd.f32 v61, v1  }
0x121: {  	v13 =	vld [tilespmem:s20+$0x7C00]  }
0x122: {  	v14 =	vld [tilespmem:s20+$0x4A00];
	v2 =	vmul.f32 v59, v57;
	v1 =	vadd.f32 v12, v1  }
0x123: {  	v15 =	vld [tilespmem:s20+$0x7E00]  }
0x124: {  	v16 =	vld [tilespmem:s20+$0x4C00];
	v17 =	vmul.f32 v62, v60;
	v1 =	vadd.f32 v2, v1  }
0x125: {  	v18 =	vld [tilespmem:s20+$0x8000];
	v19 =	vpop (erf)  }
0x126: {  	v20 =	vld [tilespmem:s20+$0x4E00];
	v21 =	vmul.f32 v13, v63;
	v1 =	vadd.f32 v17, v1;
	v22 =	vadd.f32 $1.000000000e+00, v19  }
0x127: {  	v23 =	vld [tilespmem:s20+$0x8200]  }
0x128: {  	v24 =	vld [tilespmem:s20+$0x5000];
	v25 =	vmul.f32 v15, v14;
	v1 =	vadd.f32 v21, v1;
	(erf) = vrcp.f32 v22  }
0x129: {  	v26 =	vld [tilespmem:s20+$0x8400]  }
0x12a: {  	v27 =	vld [tilespmem:s20+$0x5200];
	v28 =	vmul.f32 v18, v16;
	v1 =	vadd.f32 v25, v1  }
0x12b: {  	v29 =	vld [tilespmem:s20+$0x8600]  }
0x12c: {  	v30 =	vld [tilespmem:s20+$0x5400];
	v31 =	vmul.f32 v23, v20;
	v1 =	vadd.f32 v28, v1  }
0x12d: {  	v32 =	vld [tilespmem:s20+$0x8800]  }
0x12e: {  	v33 =	vld [tilespmem:s20+$0x5600];
	v34 =	vmul.f32 v26, v24;
	v1 =	vadd.f32 v31, v1  }
0x12f: {  	v35 =	vld [tilespmem:s20+$0x8A00]  }
0x130: {  	v36 =	vld [tilespmem:s20+$0x5800];
	v37 =	vmul.f32 v29, v27;
	v1 =	vadd.f32 v34, v1  }
0x131: {  	v38 =	vld [tilespmem:s20+$0x8C00];
	v39 =	vpop (erf)  }
0x132: {  	v40 =	vld [tilespmem:s20+$0x5A00];
	v41 =	vmul.f32 v32, v30;
	v1 =	vadd.f32 v37, v1;
	[tilespmem:s19+$0x9C00] =	vst v39  }
0x133: {  	v5 =	vld [tilespmem:s20+$0x8E00]  }
0x134: {  	v42 =	vmul.f32 v35, v33;
	v43 =	vld [tilespmem:s20+$0x5C00];
	v1 =	vadd.f32 v41, v1  }
0x135: {  	v44 =	vld [tilespmem:s20+$0x9000]  }
0x136: {  	v45 =	vmul.f32 v38, v36;
	v46 =	vld [tilespmem:s20+$0x5E00];
	v1 =	vadd.f32 v42, v1  }
0x137: {  	v47 =	vld [tilespmem:s20+$0x9200]  }
0x138: {  	v49 =	vld [tilespmem:s20+$0x6000];
	v1 =	vadd.f32 v45, v1;
	v48 =	vmul.f32 v5, v40  }
0x139: {  	v50 =	vld [tilespmem:s20+$0x9400]  }
0x13a: {  	v52 =	vld [tilespmem:s20+$0x6200];
	v51 =	vmul.f32 v44, v43;
	v1 =	vadd.f32 v48, v1  }
0x13b: {  	v53 =	vld [tilespmem:s20+$0x9600]  }
0x13c: {  	v55 =	vld [tilespmem:s20+$0x6400];
	v54 =	vmul.f32 v47, v46;
	v1 =	vadd.f32 v51, v1  }
0x13d: {  	v56 =	vld [tilespmem:s20+$0x9800]  }
0x13e: {  	v58 =	vld [tilespmem:s20+$0x6600];
	v57 =	vmul.f32 v50, v49;
	v1 =	vadd.f32 v54, v1  }
0x13f: {  	v59 =	vld [tilespmem:s20+$0x9A00]  }
0x140: {  	v60 =	vmul.f32 v53, v52;
	v1 =	vadd.f32 v57, v1;
	_ =	sdelay $0x1  }
0x141: {  	v61 =	vmul.f32 v56, v55;
	v1 =	vadd.f32 v60, v1;
	_ =	sdelay $0x1  }
0x142: {  	v62 =	vmul.f32 v59, v58;
	v1 =	vadd.f32 v61, v1;
	_ =	sdelay $0x1  }
0x143: {  	v1 =	vadd.f32 v62, v1;
	_ =	sdelay $0x1  }
0x144: {  	v1 =	vmul.f32 $3.846153990e-02, v1;
	_ =	sdelay $0x1  }
0x145: {  	v63 =	vadd.f32 v1, v0;
	_ =	sdelay $0x1  }
0x146: {  	v0 =	vsub.f32 $0.0e+00, v63;
	_ =	sdelay $0x1  }
0x147: {  	v0 =	vmul.f32 $1.442695020e+00, v0;
	_ =	sdelay $0x1  }
0x148: {  	(erf) = vpow2.f32 v0;
	_ =	sdelay $0x8  }
0x149: {  	v0 =	vpop (erf)  }
0x14a: {  	v0 =	vadd.f32 $1.000000000e+00, v0;
	_ =	sdelay $0x1  }
0x14b: {  	(erf) = vrcp.f32 v0;
	_ =	sdelay $0x7  }
0x14c: {  	s18 =	sadd.s32 $0x1, s18  }
0x14d: {  	p0 =	sne.s32 s18, s10;
	v0 =	vpop (erf)  }
.Ltmp1:
0x14e: {  	[tilespmem:s20+$0x9C00] =	vst v0;
	(pc) =	sbr.rel @p0 .LBB2_1-.Ltmp1, $4  }
0x14f: {  	[hbm4b:s9+s3] =	stream.linear.scatter [tilespmem:s16], [sflag:$0x2], $0x200, $0x38;
	[tilespmem:$0x19238] =	vst v63  }
0x150: {  	_ =	swait.ge [sflag:s14], $0x200  }
0x151: {  	[sflag:s14] =	ssyncset.done $0x0  }
0x152: {  	[sflag:s14] =	ssyncadd.s32 $0xFFFFFE00  }
0x153: {  	_ =	sfence.sel $0x180000  }
0x154: {  	[bflag:$0x0] =	sbarrier.arrive $0xFFFF  }
0x155: {  	_ =	strace $0x90000047  }
0x156: {  	s0 =	stileid.u32;
	[bflag:$0x2] =	sbarrier.arrive $0xFFFF  }
0x157: {  	p0 =	sne.s32 s0, $0x0;
	s0 =	rddreg [dreg:$0x3]  }
0x158: {  	s0 =	sadd.s32 @!p0 $0x100000, s0  }
0x159: {  	[sflag:s0] =	ssyncadd.tile.s32 @!p0 $0x1;
	_ =	shalt  }
.Lfunc_end2:
_tile_overlayer_lowered:
.L_overlay_start_2:
0x15a: {  	(tag) =	ssettag $0x2  }
0x15b: {  	s0 =	rddreg [dreg:$0x0];
	s2 =	stileid.u32  }
0x15c: {  	s1 =	rddreg [dreg:$0x1];
	p0 =	sne.s32 s2, $0x0  }
0x15d: {  	s3 =	rddreg [dreg:$0x2];
	[bflag:$0x3] =	sbarrier.arrive $0xFFFF;
	s2 =	simm.s32 @!p0 $0x1C02  }
0x15e: {  	[timem:s3], [sflag:s2] =	dma.local @!p0 [hbm:s0], s1  }
0x15f: {  	s0 =	simm.s32 @!p0 $0x2  }
0x160: {  	_ =	swait.ge @!p0 [sflag:s0], s1  }
0x161: {  	s1 =	ssub.s32 @!p0 $0x0, s1;
	[sflag:s0] =	ssyncset.done @!p0 $0x0  }
0x162: {  	[sflag:s0] =	ssyncadd.s32 @!p0 s1  }
0x163: {  	[bflag:$0x3] =	sbarrier.arrive $0xFFFF  }
0x164: {  	_ =	shalt  }

</sc_bundles>
